<compile_context>
chip_gen: v7x
topology: tpu7x:2x2x1
jax: 0.10.2.dev20260603
libtpu: 0.0.44.dev20260713+nightly
codegen_flags: <defaults>
</compile_context>

<pallas_src>
import functools

import jax
import jax.numpy as jnp
from jax import lax
from jax.experimental import pallas as pl
from jax.experimental.pallas import tpu as pltpu
from jax.experimental.pallas import tpu_sc as plsc

N_NODES = 10000
D_FEAT = 256
D_HID = 32
DH2 = 2 * D_HID

NC = 2
NS = 16
NW = NC * NS
EDGES_PER_TILE = 5000
CHUNK = 640
NFULL = 7
TAIL = EDGES_PER_TILE - NFULL * CHUNK
NPAD = 10240
ROWS_PER_TILE = NPAD // NS

_SC_MESH = dict(core_axis_name="c", subcore_axis_name="s",
                num_cores=NC, num_subcores=NS)
_SC_PARAMS = pltpu.CompilerParams(use_tc_tiling_on_sc=False)


def _deg_body(dst_hbm, zeros_hbm, ones_hbm, out_hbm, idx_v, ones_v, acc_sh):
    cid = lax.axis_index("c")
    sid = lax.axis_index("s")
    wid = cid * NS + sid
    row0 = sid * ROWS_PER_TILE
    pltpu.sync_copy(zeros_hbm.at[pl.ds(wid * ROWS_PER_TILE, ROWS_PER_TILE)],
                    acc_sh.at[pl.ds(row0, ROWS_PER_TILE)])
    pltpu.sync_copy(ones_hbm.at[pl.ds(wid * EDGES_PER_TILE, EDGES_PER_TILE)],
                    ones_v)
    pltpu.sync_copy(dst_hbm.at[pl.ds(wid * EDGES_PER_TILE, EDGES_PER_TILE)],
                    idx_v)
    plsc.subcore_barrier()
    pltpu.sync_copy(ones_v, acc_sh.at[idx_v], add=True)
    plsc.subcore_barrier()
    pltpu.sync_copy(acc_sh.at[pl.ds(row0, ROWS_PER_TILE)],
                    out_hbm.at[pl.ds(cid * NPAD + row0, ROWS_PER_TILE)])


_deg_kernel = functools.partial(
    pl.kernel,
    out_type=jax.ShapeDtypeStruct((NC * NPAD,), jnp.float32),
    mesh=plsc.VectorSubcoreMesh(**_SC_MESH),
    scratch_types=[
        pltpu.VMEM((EDGES_PER_TILE,), jnp.int32),
        pltpu.VMEM((EDGES_PER_TILE,), jnp.float32),
        pltpu.VMEM_SHARED((NPAD,), jnp.float32),
    ],
)(_deg_body)


_SIZES = [CHUNK] * NFULL + [TAIL]
_NCH = NFULL + 1


def _agg_body(y_hbm, src_hbm, dst_hbm, out_hbm,
              s0_v, s1_v, dst_v, st_v, dt_v, r0_v, r1_v, acc_sh, sem):
    cid = lax.axis_index("c")
    sid = lax.axis_index("s")
    wid = cid * NS + sid
    row0 = sid * ROWS_PER_TILE
    ebase = wid * EDGES_PER_TILE
    sbufs = (s0_v, s1_v)
    rbufs = (r0_v, r1_v)

    def src_ref(j):
        return st_v if _SIZES[j] == TAIL else sbufs[j % 2]

    def load_src(j):
        pltpu.sync_copy(src_hbm.at[pl.ds(ebase + j * CHUNK, _SIZES[j])],
                        src_ref(j))

    def start_gather(j):
        rows = rbufs[j % 2]
        if _SIZES[j] != CHUNK:
            rows = rows.at[pl.ds(0, _SIZES[j])]
        return pltpu.async_copy(y_hbm.at[src_ref(j)], rows, sem)

    load_src(0)
    cp = start_gather(0)
    pltpu.sync_copy(y_hbm.at[pl.ds(row0, ROWS_PER_TILE)],
                    acc_sh.at[pl.ds(row0, ROWS_PER_TILE)])
    plsc.subcore_barrier()
    for j in range(_NCH):
        if j + 1 < _NCH:
            load_src(j + 1)
        dref = dt_v if _SIZES[j] == TAIL else dst_v
        pltpu.sync_copy(dst_hbm.at[pl.ds(ebase + j * CHUNK, _SIZES[j])], dref)
        cp.wait()
        if j + 1 < _NCH:
            cp = start_gather(j + 1)
        rows = rbufs[j % 2]
        if _SIZES[j] != CHUNK:
            rows = rows.at[pl.ds(0, _SIZES[j])]
        pltpu.sync_copy(rows, acc_sh.at[dref], add=True)
    plsc.subcore_barrier()
    pltpu.sync_copy(acc_sh.at[pl.ds(row0, ROWS_PER_TILE)],
                    out_hbm.at[cid, pl.ds(row0, ROWS_PER_TILE)])


_agg_kernel = functools.partial(
    pl.kernel,
    out_type=jax.ShapeDtypeStruct((NC, NPAD, DH2), jnp.float32),
    mesh=plsc.VectorSubcoreMesh(**_SC_MESH),
    compiler_params=_SC_PARAMS,
    scratch_types=[
        pltpu.VMEM((CHUNK,), jnp.int32),
        pltpu.VMEM((CHUNK,), jnp.int32),
        pltpu.VMEM((CHUNK,), jnp.int32),
        pltpu.VMEM((TAIL,), jnp.int32),
        pltpu.VMEM((TAIL,), jnp.int32),
        pltpu.VMEM((CHUNK, DH2), jnp.float32),
        pltpu.VMEM((CHUNK, DH2), jnp.float32),
        pltpu.VMEM_SHARED((NPAD, DH2), jnp.float32),
        pltpu.SemaphoreType.DMA,
    ],
)(_agg_body)


_ROWS_BLK = 2048
_N_BLKS = NPAD // _ROWS_BLK


def _xw_body(x_ref, w_ref, xw_ref):
    xw_ref[...] = jnp.dot(x_ref[...], w_ref[...],
                          preferred_element_type=jnp.float32)


def _xw(x2, wcat):
    return pl.pallas_call(
        _xw_body,
        grid=(_N_BLKS,),
        in_specs=[
            pl.BlockSpec((_ROWS_BLK, D_FEAT), lambda i: (i, 0)),
            pl.BlockSpec((D_FEAT, DH2), lambda i: (0, 0)),
        ],
        out_specs=pl.BlockSpec((_ROWS_BLK, DH2), lambda i: (i, 0)),
        out_shape=jax.ShapeDtypeStruct((NPAD, DH2), jnp.float32),
    )(x2, wcat)


def _scale_body(xw_ref, deg0_ref, deg1_ref, y_ref):
    i = pl.program_id(0)
    deg = deg0_ref[...] + deg1_ref[...] + 1.0
    dis = lax.rsqrt(deg)
    rows = jax.lax.broadcasted_iota(jnp.int32, (_ROWS_BLK, 1), 0) + i * _ROWS_BLK
    y_ref[...] = jnp.where(rows < N_NODES, xw_ref[...] * dis[:, None], 0.0)


def _scale(xw, deg0, deg1):
    return pl.pallas_call(
        _scale_body,
        grid=(_N_BLKS,),
        in_specs=[
            pl.BlockSpec((_ROWS_BLK, DH2), lambda i: (i, 0)),
            pl.BlockSpec((_ROWS_BLK,), lambda i: (i,)),
            pl.BlockSpec((_ROWS_BLK,), lambda i: (i,)),
        ],
        out_specs=pl.BlockSpec((_ROWS_BLK, DH2), lambda i: (i, 0)),
        out_shape=jax.ShapeDtypeStruct((NPAD, DH2), jnp.float32),
    )(xw, deg0, deg1)


_FIN_BLK = 1024
_FIN_N = (NPAD // 2) // _FIN_BLK


def _fin_body(acc_ref, y_ref, dege_ref, dego_ref, m1_ref, m2_ref,
              bz_ref, bh_ref, wl_ref, bl_ref, oute_ref, outo_ref):
    p = acc_ref[0] + acc_ref[1] - y_ref[...]
    dise = lax.rsqrt(dege_ref[...] + 1.0)
    diso = lax.rsqrt(dego_ref[...] + 1.0)
    for half, dis, out_ref in ((0, dise, oute_ref), (1, diso, outo_ref)):
        t = p[:, half * DH2:(half + 1) * DH2] * dis[:, None]
        zin = jnp.dot(t, m1_ref[...], preferred_element_type=jnp.float32) + bz_ref[...]
        hin = jnp.dot(t, m2_ref[...], preferred_element_type=jnp.float32) + bh_ref[...]
        f = (1.0 - jax.nn.sigmoid(zin)) * jnp.tanh(hin)
        out_ref[...] = jnp.sum(f * wl_ref[...], axis=1) + bl_ref[0, 0]


def _final(acc_p, y_p, dege, dego, m1, m2, bz, bh, wlrow, blin):
    return pl.pallas_call(
        _fin_body,
        grid=(_FIN_N,),
        in_specs=[
            pl.BlockSpec((NC, _FIN_BLK, 2 * DH2), lambda i: (0, i, 0)),
            pl.BlockSpec((_FIN_BLK, 2 * DH2), lambda i: (i, 0)),
            pl.BlockSpec((_FIN_BLK,), lambda i: (i,)),
            pl.BlockSpec((_FIN_BLK,), lambda i: (i,)),
            pl.BlockSpec((DH2, D_HID), lambda i: (0, 0)),
            pl.BlockSpec((DH2, D_HID), lambda i: (0, 0)),
            pl.BlockSpec((1, D_HID), lambda i: (0, 0)),
            pl.BlockSpec((1, D_HID), lambda i: (0, 0)),
            pl.BlockSpec((1, D_HID), lambda i: (0, 0)),
            pl.BlockSpec((1, 1), lambda i: (0, 0)),
        ],
        out_specs=(pl.BlockSpec((_FIN_BLK,), lambda i: (i,)),
                   pl.BlockSpec((_FIN_BLK,), lambda i: (i,))),
        out_shape=(jax.ShapeDtypeStruct((NPAD // 2,), jnp.float32),
                   jax.ShapeDtypeStruct((NPAD // 2,), jnp.float32)),
    )(acc_p, y_p, dege, dego, m1, m2, bz, bh, wlrow, blin)


def kernel(x, edge_index, W_z, b_z, W_r, b_r, W_h, b_h, lz_W, lz_b,
           lr_W, lr_b, lh_W, lh_b, att, W_lin, b_lin):
    f32 = jnp.float32
    x2 = x[:, :, 0]
    wcat = jnp.concatenate([W_z, W_h], axis=1)

    src_flat = edge_index[0]
    dst_flat = edge_index[1]

    zeros_init = jnp.zeros((NW * ROWS_PER_TILE,), f32)
    ones_vals = jnp.ones((NW * EDGES_PER_TILE,), f32)

    xw = _xw(x2, wcat)
    deg_flat = _deg_kernel(dst_flat, zeros_init, ones_vals)
    deg0 = deg_flat[:NPAD]
    deg1 = deg_flat[NPAD:]
    y = _scale(xw, deg0, deg1)
    y_lin = y.reshape(NPAD * DH2)
    y_sc = y_lin.reshape(NPAD, DH2)
    acc = _agg_kernel(y_sc, src_flat, dst_flat)

    acc_p = acc.reshape(NC, NPAD // 2, 2 * DH2)
    y_p = y_lin.reshape(NPAD // 2, 2 * DH2)
    deg = deg0 + deg1
    dege = deg[0::2]
    dego = deg[1::2]

    zeros32 = jnp.zeros((D_HID, D_HID), f32)
    m1 = jnp.concatenate([lz_W[:D_HID], zeros32], axis=0)
    m2 = jnp.concatenate([zeros32, lh_W[:D_HID]], axis=0)
    bz = (b_z @ lz_W[:D_HID] + lz_b).reshape(1, D_HID)
    bh = (b_h @ lh_W[:D_HID] + lh_b).reshape(1, D_HID)
    wlrow = W_lin[:, 0].reshape(1, D_HID)
    blin = b_lin.reshape(1, 1)

    oute, outo = _final(acc_p, y_p, dege, dego, m1, m2, bz, bh, wlrow, blin)
    out = jnp.stack([oute, outo], axis=1).reshape(-1)
    return out[:N_NODES]

# --- scband reference (transcript-rebuilt; emitter-appended) ---
"""Pipeline reference for scband-temporal-gnn-31610959299321 (READ-ONLY COPY).

The authoritative reference and input builder live on the scoring server;
editing this copy changes nothing except your own understanding.
"""

import jax, jax.numpy as jnp
import numpy as np

N_NODES = 10000
N_EDGES = 160000
D_FEAT = 256
D_HID = 32
PERIODS = 1


def _p(key, i, shape, scale=0.05):
    return jax.random.normal(jax.random.fold_in(key, i), shape, dtype=jnp.float32) * scale


def setup_inputs(seed: int = 0):
    key = jax.random.key(seed)
    inp = {}
    inp["x"] = jax.random.normal(jax.random.fold_in(key, 0), (N_NODES, D_FEAT, PERIODS), dtype=jnp.float32)
    inp["edge_index"] = jax.random.randint(jax.random.fold_in(key, 1), (2, N_EDGES), 0, N_NODES, dtype=jnp.int32)
    # TGCN GCNConv weights (in=D_FEAT, out=D_HID) for z, r, h gates
    inp["W_z"] = _p(key, 10, (D_FEAT, D_HID)); inp["b_z"] = jnp.zeros((D_HID,), jnp.float32)
    inp["W_r"] = _p(key, 11, (D_FEAT, D_HID)); inp["b_r"] = jnp.zeros((D_HID,), jnp.float32)
    inp["W_h"] = _p(key, 12, (D_FEAT, D_HID)); inp["b_h"] = jnp.zeros((D_HID,), jnp.float32)
    # TGCN linear layers: Linear(2*D_HID, D_HID)
    inp["lz_W"] = _p(key, 13, (2 * D_HID, D_HID)); inp["lz_b"] = jnp.zeros((D_HID,), jnp.float32)
    inp["lr_W"] = _p(key, 14, (2 * D_HID, D_HID)); inp["lr_b"] = jnp.zeros((D_HID,), jnp.float32)
    inp["lh_W"] = _p(key, 15, (2 * D_HID, D_HID)); inp["lh_b"] = jnp.zeros((D_HID,), jnp.float32)
    # A3TGCN attention over periods
    inp["att"] = _p(key, 16, (PERIODS,), scale=1.0)
    # Final Linear(32, 1)
    inp["W_lin"] = _p(key, 17, (D_HID, 1)); inp["b_lin"] = jnp.zeros((1,), jnp.float32)
    return inp


def _gcn_conv(x, src, dst, norm, W, b):
    # PyG GCNConv: X @ W, then symmetric-normalized scatter-add aggregation, then bias
    xw = x @ W
    msg = xw[src] * norm[:, None]
    out = jnp.zeros((x.shape[0], W.shape[1]), dtype=x.dtype).at[dst].add(msg)
    return out + b


def reference(x, edge_index, W_z, b_z, W_r, b_r, W_h, b_h, lz_W, lz_b, lr_W, lr_b, lh_W, lh_b, att, W_lin, b_lin):
    N = x.shape[0]
    loop = jnp.arange(N, dtype=edge_index.dtype)
    src = jnp.concatenate([edge_index[0], loop])
    dst = jnp.concatenate([edge_index[1], loop])
    deg = jnp.zeros((N,), dtype=x.dtype).at[dst].add(1.0)
    dis = jnp.where(deg > 0, 1.0 / jnp.sqrt(deg), 0.0)
    norm = dis[src] * dis[dst]
    H = jnp.zeros((N, D_HID), dtype=x.dtype)
    probs = jax.nn.softmax(att)
    H_accum = jnp.zeros((N, D_HID), dtype=x.dtype)
    for p in range(PERIODS):
        Xp = x[:, :, p]
        Cz = _gcn_conv(Xp, src, dst, norm, W_z, b_z)
        Z = jax.nn.sigmoid(jnp.concatenate([Cz, H], axis=1) @ lz_W + lz_b)
        Cr = _gcn_conv(Xp, src, dst, norm, W_r, b_r)
        R = jax.nn.sigmoid(jnp.concatenate([Cr, H], axis=1) @ lr_W + lr_b)
        Ch = _gcn_conv(Xp, src, dst, norm, W_h, b_h)
        Ht = jnp.tanh(jnp.concatenate([Ch, H * R], axis=1) @ lh_W + lh_b)
        Hn = Z * H + (1.0 - Z) * Ht
        H_accum = H_accum + probs[p] * Hn
    h = H_accum.reshape(-1, D_HID)
    out = h @ W_lin + b_lin
    return out.squeeze(1)

if __name__ == "__main__":
    import jax
    _d = setup_inputs()
    print(jax.jit(kernel)(*tuple(_d.values())))

</pallas_src>

<mosaic_0001>
#map = affine_map<(d0, d1) -> (0, 0)>
#map1 = affine_map<(d0, d1) -> (0)>
#map2 = affine_map<(d0, d1) -> (0, 0, 0)>
module attributes {stable_mosaic.version = 14 : i64} {
  func.func @_agg_body(%arg0: i32, %arg1: i32, %arg2: memref<10240x64xf32, #tpu.memory_space<hbm>>, %arg3: memref<160000xi32, #tpu.memory_space<hbm>>, %arg4: memref<160000xi32, #tpu.memory_space<hbm>>, %arg5: memref<2x10240x64xf32, #tpu.memory_space<hbm>>, %arg6: memref<640xi32, #tpu.memory_space<vmem>>, %arg7: memref<640xi32, #tpu.memory_space<vmem>>, %arg8: memref<640xi32, #tpu.memory_space<vmem>>, %arg9: memref<520xi32, #tpu.memory_space<vmem>>, %arg10: memref<520xi32, #tpu.memory_space<vmem>>, %arg11: memref<640x64xf32, #tpu.memory_space<vmem>>, %arg12: memref<640x64xf32, #tpu.memory_space<vmem>>, %arg13: memref<10240x64xf32, #tpu.memory_space<vmem_shared>>, %arg14: memref<!tpu.dma_semaphore, #tpu.memory_space<semaphore_mem>>) attributes {dimension_semantics = [#tpu.dimension_semantics<core_parallel>, #tpu.dimension_semantics<subcore_parallel>], iteration_bounds = array<i64: 2, 16>, scalar_prefetch = 0 : i64, scratch_operands = 9 : i64, tpu.core_type = #tpu.core_type<sc_vector_subcore>, window_params = [{transform_indices = #map}, {transform_indices = #map1}, {transform_indices = #map1}, {transform_indices = #map2}]} {
    %mul3A = arith.constant 16 : i32
    %mul3A_0 = arith.muli %arg0, %mul3A : i32
    %add3A = arith.addi %mul3A_0, %arg1 : i32
    %mul3A_1 = arith.constant 640 : i32
    %mul3A_2 = arith.muli %arg1, %mul3A_1 : i32
    %mul3A_3 = arith.constant 5000 : i32
    %mul3A_4 = arith.muli %add3A, %mul3A_3 : i32
    %add3A_5 = arith.constant 0 : i32
    %add3A_6 = arith.addi %mul3A_4, %add3A_5 : i32
    "tpu.region"() ({
      %run_scoped3A = tpu.sem_alloc : memref<!tpu.dma_semaphore, #tpu.memory_space<semaphore_mem>>
      %dma_start3A_90 = tpu.memref_slice %arg3[%add3A_6] : memref<160000xi32, #tpu.memory_space<hbm>> -> memref<640xi32, #tpu.memory_space<hbm>>
      %dma_start3A_91 = tpu.memref_slice %arg3[%add3A_6] : memref<160000xi32, #tpu.memory_space<hbm>> -> memref<640xi32, #tpu.memory_space<hbm>>
      tpu.enqueue_dma source(%dma_start3A_91 : memref<640xi32, #tpu.memory_space<hbm>>) target(%arg6 : memref<640xi32, #tpu.memory_space<vmem>>) target_semaphore(%run_scoped3A : memref<!tpu.dma_semaphore, #tpu.memory_space<semaphore_mem>>)
      %dma_wait3A_92 = tpu.memref_slice %arg3[%add3A_6] : memref<160000xi32, #tpu.memory_space<hbm>> -> memref<640xi32, #tpu.memory_space<hbm>>
      %dma_wait3A_93 = tpu.memref_slice %arg3[%add3A_6] : memref<160000xi32, #tpu.memory_space<hbm>> -> memref<640xi32, #tpu.memory_space<hbm>>
      tpu.wait_dma2 semaphore(%run_scoped3A : memref<!tpu.dma_semaphore, #tpu.memory_space<semaphore_mem>>) src(%dma_wait3A_93 : memref<640xi32, #tpu.memory_space<hbm>>) dst(%arg6 : memref<640xi32, #tpu.memory_space<vmem>>)
      tpu.yield
    }) : () -> ()
    %dma_start3A = arith.constant 0 : i32
    %dma_start3A_7 = arith.constant 0 : i32
    %dma_start3A_8 = tpu.memref_slice %arg2[%dma_start3A, %dma_start3A_7] : memref<10240x64xf32, #tpu.memory_space<hbm>> -> memref<10240x64xf32, #tpu.memory_space<hbm>>
    tpu.enqueue_indirect_dma source(%dma_start3A_8 : memref<10240x64xf32, #tpu.memory_space<hbm>>) target(%arg11 : memref<640x64xf32, #tpu.memory_space<vmem>>) offsets(%arg6 : memref<640xi32, #tpu.memory_space<vmem>>) semaphore(%arg14 : memref<!tpu.dma_semaphore, #tpu.memory_space<semaphore_mem>>)
    "tpu.region"() ({
      %run_scoped3A = tpu.sem_alloc : memref<!tpu.dma_semaphore, #tpu.memory_space<semaphore_mem>>
      %dma_start3A_90 = arith.constant 0 : i32
      %dma_start3A_91 = tpu.memref_slice %arg13[%mul3A_2, %dma_start3A_90] : memref<10240x64xf32, #tpu.memory_space<vmem_shared>> -> memref<640x64xf32, #tpu.memory_space<vmem_shared>>
      %dma_start3A_92 = arith.constant 0 : i32
      %dma_start3A_93 = tpu.memref_slice %arg2[%mul3A_2, %dma_start3A_92] : memref<10240x64xf32, #tpu.memory_space<hbm>> -> memref<640x64xf32, #tpu.memory_space<hbm>>
      tpu.enqueue_dma source(%dma_start3A_93 : memref<640x64xf32, #tpu.memory_space<hbm>>) target(%dma_start3A_91 : memref<640x64xf32, #tpu.memory_space<vmem_shared>>) target_semaphore(%run_scoped3A : memref<!tpu.dma_semaphore, #tpu.memory_space<semaphore_mem>>)
      %dma_wait3A_94 = arith.constant 0 : i32
      %dma_wait3A_95 = tpu.memref_slice %arg13[%mul3A_2, %dma_wait3A_94] : memref<10240x64xf32, #tpu.memory_space<vmem_shared>> -> memref<640x64xf32, #tpu.memory_space<vmem_shared>>
      %dma_wait3A_96 = arith.constant 0 : i32
      %dma_wait3A_97 = tpu.memref_slice %arg2[%mul3A_2, %dma_wait3A_96] : memref<10240x64xf32, #tpu.memory_space<hbm>> -> memref<640x64xf32, #tpu.memory_space<hbm>>
      tpu.wait_dma2 semaphore(%run_scoped3A : memref<!tpu.dma_semaphore, #tpu.memory_space<semaphore_mem>>) src(%dma_wait3A_97 : memref<640x64xf32, #tpu.memory_space<hbm>>) dst(%dma_wait3A_95 : memref<640x64xf32, #tpu.memory_space<vmem_shared>>)
      tpu.yield
    }) : () -> ()
    %barrier3A = arith.constant 0 : index
    tpu.barrier barrier_id(%barrier3A)
    %add3A_9 = arith.constant 640 : i32
    %add3A_10 = arith.addi %mul3A_4, %add3A_9 : i32
    "tpu.region"() ({
      %run_scoped3A = tpu.sem_alloc : memref<!tpu.dma_semaphore, #tpu.memory_space<semaphore_mem>>
      %dma_start3A_90 = tpu.memref_slice %arg3[%add3A_10] : memref<160000xi32, #tpu.memory_space<hbm>> -> memref<640xi32, #tpu.memory_space<hbm>>
      %dma_start3A_91 = tpu.memref_slice %arg3[%add3A_10] : memref<160000xi32, #tpu.memory_space<hbm>> -> memref<640xi32, #tpu.memory_space<hbm>>
      tpu.enqueue_dma source(%dma_start3A_91 : memref<640xi32, #tpu.memory_space<hbm>>) target(%arg7 : memref<640xi32, #tpu.memory_space<vmem>>) target_semaphore(%run_scoped3A : memref<!tpu.dma_semaphore, #tpu.memory_space<semaphore_mem>>)
      %dma_wait3A_92 = tpu.memref_slice %arg3[%add3A_10] : memref<160000xi32, #tpu.memory_space<hbm>> -> memref<640xi32, #tpu.memory_space<hbm>>
      %dma_wait3A_93 = tpu.memref_slice %arg3[%add3A_10] : memref<160000xi32, #tpu.memory_space<hbm>> -> memref<640xi32, #tpu.memory_space<hbm>>
      tpu.wait_dma2 semaphore(%run_scoped3A : memref<!tpu.dma_semaphore, #tpu.memory_space<semaphore_mem>>) src(%dma_wait3A_93 : memref<640xi32, #tpu.memory_space<hbm>>) dst(%arg7 : memref<640xi32, #tpu.memory_space<vmem>>)
      tpu.yield
    }) : () -> ()
    %add3A_11 = arith.constant 0 : i32
    %add3A_12 = arith.addi %mul3A_4, %add3A_11 : i32
    "tpu.region"() ({
      %run_scoped3A = tpu.sem_alloc : memref<!tpu.dma_semaphore, #tpu.memory_space<semaphore_mem>>
      %dma_start3A_90 = tpu.memref_slice %arg4[%add3A_12] : memref<160000xi32, #tpu.memory_space<hbm>> -> memref<640xi32, #tpu.memory_space<hbm>>
      %dma_start3A_91 = tpu.memref_slice %arg4[%add3A_12] : memref<160000xi32, #tpu.memory_space<hbm>> -> memref<640xi32, #tpu.memory_space<hbm>>
      tpu.enqueue_dma source(%dma_start3A_91 : memref<640xi32, #tpu.memory_space<hbm>>) target(%arg8 : memref<640xi32, #tpu.memory_space<vmem>>) target_semaphore(%run_scoped3A : memref<!tpu.dma_semaphore, #tpu.memory_space<semaphore_mem>>)
      %dma_wait3A_92 = tpu.memref_slice %arg4[%add3A_12] : memref<160000xi32, #tpu.memory_space<hbm>> -> memref<640xi32, #tpu.memory_space<hbm>>
      %dma_wait3A_93 = tpu.memref_slice %arg4[%add3A_12] : memref<160000xi32, #tpu.memory_space<hbm>> -> memref<640xi32, #tpu.memory_space<hbm>>
      tpu.wait_dma2 semaphore(%run_scoped3A : memref<!tpu.dma_semaphore, #tpu.memory_space<semaphore_mem>>) src(%dma_wait3A_93 : memref<640xi32, #tpu.memory_space<hbm>>) dst(%arg8 : memref<640xi32, #tpu.memory_space<vmem>>)
      tpu.yield
    }) : () -> ()
    %dma_wait3A = arith.constant 0 : i32
    %dma_wait3A_13 = arith.constant 0 : i32
    %dma_wait3A_14 = tpu.memref_slice %arg2[%dma_wait3A, %dma_wait3A_13] : memref<10240x64xf32, #tpu.memory_space<hbm>> -> memref<10240x64xf32, #tpu.memory_space<hbm>>
    tpu.wait_indirect_dma semaphore(%arg14 : memref<!tpu.dma_semaphore, #tpu.memory_space<semaphore_mem>>) src(%dma_wait3A_14 : memref<10240x64xf32, #tpu.memory_space<hbm>>) dst(%arg11 : memref<640x64xf32, #tpu.memory_space<vmem>>)
    %dma_start3A_15 = arith.constant 0 : i32
    %dma_start3A_16 = arith.constant 0 : i32
    %dma_start3A_17 = tpu.memref_slice %arg2[%dma_start3A_15, %dma_start3A_16] : memref<10240x64xf32, #tpu.memory_space<hbm>> -> memref<10240x64xf32, #tpu.memory_space<hbm>>
    tpu.enqueue_indirect_dma source(%dma_start3A_17 : memref<10240x64xf32, #tpu.memory_space<hbm>>) target(%arg12 : memref<640x64xf32, #tpu.memory_space<vmem>>) offsets(%arg7 : memref<640xi32, #tpu.memory_space<vmem>>) semaphore(%arg14 : memref<!tpu.dma_semaphore, #tpu.memory_space<semaphore_mem>>)
    "tpu.region"() ({
      %run_scoped3A = tpu.sem_alloc : memref<!tpu.dma_semaphore, #tpu.memory_space<semaphore_mem>>
      %dma_start3A_90 = arith.constant 0 : i32
      %dma_start3A_91 = arith.constant 0 : i32
      %dma_start3A_92 = tpu.memref_slice %arg13[%dma_start3A_90, %dma_start3A_91] : memref<10240x64xf32, #tpu.memory_space<vmem_shared>> -> memref<10240x64xf32, #tpu.memory_space<vmem_shared>>
      tpu.enqueue_indirect_dma source(%arg11 : memref<640x64xf32, #tpu.memory_space<vmem>>) target(%dma_start3A_92 : memref<10240x64xf32, #tpu.memory_space<vmem_shared>>) offsets(%arg8 : memref<640xi32, #tpu.memory_space<vmem>>) semaphore(%run_scoped3A : memref<!tpu.dma_semaphore, #tpu.memory_space<semaphore_mem>>) {add = true}
      %dma_wait3A_93 = arith.constant 0 : i32
      %dma_wait3A_94 = arith.constant 0 : i32
      %dma_wait3A_95 = tpu.memref_slice %arg13[%dma_wait3A_93, %dma_wait3A_94] : memref<10240x64xf32, #tpu.memory_space<vmem_shared>> -> memref<10240x64xf32, #tpu.memory_space<vmem_shared>>
      tpu.wait_indirect_dma semaphore(%run_scoped3A : memref<!tpu.dma_semaphore, #tpu.memory_space<semaphore_mem>>) src(%arg11 : memref<640x64xf32, #tpu.memory_space<vmem>>) dst(%dma_wait3A_95 : memref<10240x64xf32, #tpu.memory_space<vmem_shared>>)
      tpu.yield
    }) : () -> ()
    %add3A_18 = arith.constant 1280 : i32
    %add3A_19 = arith.addi %mul3A_4, %add3A_18 : i32
    "tpu.region"() ({
      %run_scoped3A = tpu.sem_alloc : memref<!tpu.dma_semaphore, #tpu.memory_space<semaphore_mem>>
      %dma_start3A_90 = tpu.memref_slice %arg3[%add3A_19] : memref<160000xi32, #tpu.memory_space<hbm>> -> memref<640xi32, #tpu.memory_space<hbm>>
      %dma_start3A_91 = tpu.memref_slice %arg3[%add3A_19] : memref<160000xi32, #tpu.memory_space<hbm>> -> memref<640xi32, #tpu.memory_space<hbm>>
      tpu.enqueue_dma source(%dma_start3A_91 : memref<640xi32, #tpu.memory_space<hbm>>) target(%arg6 : memref<640xi32, #tpu.memory_space<vmem>>) target_semaphore(%run_scoped3A : memref<!tpu.dma_semaphore, #tpu.memory_space<semaphore_mem>>)
      %dma_wait3A_92 = tpu.memref_slice %arg3[%add3A_19] : memref<160000xi32, #tpu.memory_space<hbm>> -> memref<640xi32, #tpu.memory_space<hbm>>
      %dma_wait3A_93 = tpu.memref_slice %arg3[%add3A_19] : memref<160000xi32, #tpu.memory_space<hbm>> -> memref<640xi32, #tpu.memory_space<hbm>>
      tpu.wait_dma2 semaphore(%run_scoped3A : memref<!tpu.dma_semaphore, #tpu.memory_space<semaphore_mem>>) src(%dma_wait3A_93 : memref<640xi32, #tpu.memory_space<hbm>>) dst(%arg6 : memref<640xi32, #tpu.memory_space<vmem>>)
      tpu.yield
    }) : () -> ()
    %add3A_20 = arith.constant 640 : i32
    %add3A_21 = arith.addi %mul3A_4, %add3A_20 : i32
    "tpu.region"() ({
      %run_scoped3A = tpu.sem_alloc : memref<!tpu.dma_semaphore, #tpu.memory_space<semaphore_mem>>
      %dma_start3A_90 = tpu.memref_slice %arg4[%add3A_21] : memref<160000xi32, #tpu.memory_space<hbm>> -> memref<640xi32, #tpu.memory_space<hbm>>
      %dma_start3A_91 = tpu.memref_slice %arg4[%add3A_21] : memref<160000xi32, #tpu.memory_space<hbm>> -> memref<640xi32, #tpu.memory_space<hbm>>
      tpu.enqueue_dma source(%dma_start3A_91 : memref<640xi32, #tpu.memory_space<hbm>>) target(%arg8 : memref<640xi32, #tpu.memory_space<vmem>>) target_semaphore(%run_scoped3A : memref<!tpu.dma_semaphore, #tpu.memory_space<semaphore_mem>>)
      %dma_wait3A_92 = tpu.memref_slice %arg4[%add3A_21] : memref<160000xi32, #tpu.memory_space<hbm>> -> memref<640xi32, #tpu.memory_space<hbm>>
      %dma_wait3A_93 = tpu.memref_slice %arg4[%add3A_21] : memref<160000xi32, #tpu.memory_space<hbm>> -> memref<640xi32, #tpu.memory_space<hbm>>
      tpu.wait_dma2 semaphore(%run_scoped3A : memref<!tpu.dma_semaphore, #tpu.memory_space<semaphore_mem>>) src(%dma_wait3A_93 : memref<640xi32, #tpu.memory_space<hbm>>) dst(%arg8 : memref<640xi32, #tpu.memory_space<vmem>>)
      tpu.yield
    }) : () -> ()
    %dma_wait3A_22 = arith.constant 0 : i32
    %dma_wait3A_23 = arith.constant 0 : i32
    %dma_wait3A_24 = tpu.memref_slice %arg2[%dma_wait3A_22, %dma_wait3A_23] : memref<10240x64xf32, #tpu.memory_space<hbm>> -> memref<10240x64xf32, #tpu.memory_space<hbm>>
    tpu.wait_indirect_dma semaphore(%arg14 : memref<!tpu.dma_semaphore, #tpu.memory_space<semaphore_mem>>) src(%dma_wait3A_24 : memref<10240x64xf32, #tpu.memory_space<hbm>>) dst(%arg12 : memref<640x64xf32, #tpu.memory_space<vmem>>)
    %dma_start3A_25 = arith.constant 0 : i32
    %dma_start3A_26 = arith.constant 0 : i32
    %dma_start3A_27 = tpu.memref_slice %arg2[%dma_start3A_25, %dma_start3A_26] : memref<10240x64xf32, #tpu.memory_space<hbm>> -> memref<10240x64xf32, #tpu.memory_space<hbm>>
    tpu.enqueue_indirect_dma source(%dma_start3A_27 : memref<10240x64xf32, #tpu.memory_space<hbm>>) target(%arg11 : memref<640x64xf32, #tpu.memory_space<vmem>>) offsets(%arg6 : memref<640xi32, #tpu.memory_space<vmem>>) semaphore(%arg14 : memref<!tpu.dma_semaphore, #tpu.memory_space<semaphore_mem>>)
    "tpu.region"() ({
      %run_scoped3A = tpu.sem_alloc : memref<!tpu.dma_semaphore, #tpu.memory_space<semaphore_mem>>
      %dma_start3A_90 = arith.constant 0 : i32
      %dma_start3A_91 = arith.constant 0 : i32
      %dma_start3A_92 = tpu.memref_slice %arg13[%dma_start3A_90, %dma_start3A_91] : memref<10240x64xf32, #tpu.memory_space<vmem_shared>> -> memref<10240x64xf32, #tpu.memory_space<vmem_shared>>
      tpu.enqueue_indirect_dma source(%arg12 : memref<640x64xf32, #tpu.memory_space<vmem>>) target(%dma_start3A_92 : memref<10240x64xf32, #tpu.memory_space<vmem_shared>>) offsets(%arg8 : memref<640xi32, #tpu.memory_space<vmem>>) semaphore(%run_scoped3A : memref<!tpu.dma_semaphore, #tpu.memory_space<semaphore_mem>>) {add = true}
      %dma_wait3A_93 = arith.constant 0 : i32
      %dma_wait3A_94 = arith.constant 0 : i32
      %dma_wait3A_95 = tpu.memref_slice %arg13[%dma_wait3A_93, %dma_wait3A_94] : memref<10240x64xf32, #tpu.memory_space<vmem_shared>> -> memref<10240x64xf32, #tpu.memory_space<vmem_shared>>
      tpu.wait_indirect_dma semaphore(%run_scoped3A : memref<!tpu.dma_semaphore, #tpu.memory_space<semaphore_mem>>) src(%arg12 : memref<640x64xf32, #tpu.memory_space<vmem>>) dst(%dma_wait3A_95 : memref<10240x64xf32, #tpu.memory_space<vmem_shared>>)
      tpu.yield
    }) : () -> ()
    %add3A_28 = arith.constant 1920 : i32
    %add3A_29 = arith.addi %mul3A_4, %add3A_28 : i32
    "tpu.region"() ({
      %run_scoped3A = tpu.sem_alloc : memref<!tpu.dma_semaphore, #tpu.memory_space<semaphore_mem>>
      %dma_start3A_90 = tpu.memref_slice %arg3[%add3A_29] : memref<160000xi32, #tpu.memory_space<hbm>> -> memref<640xi32, #tpu.memory_space<hbm>>
      %dma_start3A_91 = tpu.memref_slice %arg3[%add3A_29] : memref<160000xi32, #tpu.memory_space<hbm>> -> memref<640xi32, #tpu.memory_space<hbm>>
      tpu.enqueue_dma source(%dma_start3A_91 : memref<640xi32, #tpu.memory_space<hbm>>) target(%arg7 : memref<640xi32, #tpu.memory_space<vmem>>) target_semaphore(%run_scoped3A : memref<!tpu.dma_semaphore, #tpu.memory_space<semaphore_mem>>)
      %dma_wait3A_92 = tpu.memref_slice %arg3[%add3A_29] : memref<160000xi32, #tpu.memory_space<hbm>> -> memref<640xi32, #tpu.memory_space<hbm>>
      %dma_wait3A_93 = tpu.memref_slice %arg3[%add3A_29] : memref<160000xi32, #tpu.memory_space<hbm>> -> memref<640xi32, #tpu.memory_space<hbm>>
      tpu.wait_dma2 semaphore(%run_scoped3A : memref<!tpu.dma_semaphore, #tpu.memory_space<semaphore_mem>>) src(%dma_wait3A_93 : memref<640xi32, #tpu.memory_space<hbm>>) dst(%arg7 : memref<640xi32, #tpu.memory_space<vmem>>)
      tpu.yield
    }) : () -> ()
    %add3A_30 = arith.constant 1280 : i32
    %add3A_31 = arith.addi %mul3A_4, %add3A_30 : i32
    "tpu.region"() ({
      %run_scoped3A = tpu.sem_alloc : memref<!tpu.dma_semaphore, #tpu.memory_space<semaphore_mem>>
      %dma_start3A_90 = tpu.memref_slice %arg4[%add3A_31] : memref<160000xi32, #tpu.memory_space<hbm>> -> memref<640xi32, #tpu.memory_space<hbm>>
      %dma_start3A_91 = tpu.memref_slice %arg4[%add3A_31] : memref<160000xi32, #tpu.memory_space<hbm>> -> memref<640xi32, #tpu.memory_space<hbm>>
      tpu.enqueue_dma source(%dma_start3A_91 : memref<640xi32, #tpu.memory_space<hbm>>) target(%arg8 : memref<640xi32, #tpu.memory_space<vmem>>) target_semaphore(%run_scoped3A : memref<!tpu.dma_semaphore, #tpu.memory_space<semaphore_mem>>)
      %dma_wait3A_92 = tpu.memref_slice %arg4[%add3A_31] : memref<160000xi32, #tpu.memory_space<hbm>> -> memref<640xi32, #tpu.memory_space<hbm>>
      %dma_wait3A_93 = tpu.memref_slice %arg4[%add3A_31] : memref<160000xi32, #tpu.memory_space<hbm>> -> memref<640xi32, #tpu.memory_space<hbm>>
      tpu.wait_dma2 semaphore(%run_scoped3A : memref<!tpu.dma_semaphore, #tpu.memory_space<semaphore_mem>>) src(%dma_wait3A_93 : memref<640xi32, #tpu.memory_space<hbm>>) dst(%arg8 : memref<640xi32, #tpu.memory_space<vmem>>)
      tpu.yield
    }) : () -> ()
    %dma_wait3A_32 = arith.constant 0 : i32
    %dma_wait3A_33 = arith.constant 0 : i32
    %dma_wait3A_34 = tpu.memref_slice %arg2[%dma_wait3A_32, %dma_wait3A_33] : memref<10240x64xf32, #tpu.memory_space<hbm>> -> memref<10240x64xf32, #tpu.memory_space<hbm>>
    tpu.wait_indirect_dma semaphore(%arg14 : memref<!tpu.dma_semaphore, #tpu.memory_space<semaphore_mem>>) src(%dma_wait3A_34 : memref<10240x64xf32, #tpu.memory_space<hbm>>) dst(%arg11 : memref<640x64xf32, #tpu.memory_space<vmem>>)
    %dma_start3A_35 = arith.constant 0 : i32
    %dma_start3A_36 = arith.constant 0 : i32
    %dma_start3A_37 = tpu.memref_slice %arg2[%dma_start3A_35, %dma_start3A_36] : memref<10240x64xf32, #tpu.memory_space<hbm>> -> memref<10240x64xf32, #tpu.memory_space<hbm>>
    tpu.enqueue_indirect_dma source(%dma_start3A_37 : memref<10240x64xf32, #tpu.memory_space<hbm>>) target(%arg12 : memref<640x64xf32, #tpu.memory_space<vmem>>) offsets(%arg7 : memref<640xi32, #tpu.memory_space<vmem>>) semaphore(%arg14 : memref<!tpu.dma_semaphore, #tpu.memory_space<semaphore_mem>>)
    "tpu.region"() ({
      %run_scoped3A = tpu.sem_alloc : memref<!tpu.dma_semaphore, #tpu.memory_space<semaphore_mem>>
      %dma_start3A_90 = arith.constant 0 : i32
      %dma_start3A_91 = arith.constant 0 : i32
      %dma_start3A_92 = tpu.memref_slice %arg13[%dma_start3A_90, %dma_start3A_91] : memref<10240x64xf32, #tpu.memory_space<vmem_shared>> -> memref<10240x64xf32, #tpu.memory_space<vmem_shared>>
      tpu.enqueue_indirect_dma source(%arg11 : memref<640x64xf32, #tpu.memory_space<vmem>>) target(%dma_start3A_92 : memref<10240x64xf32, #tpu.memory_space<vmem_shared>>) offsets(%arg8 : memref<640xi32, #tpu.memory_space<vmem>>) semaphore(%run_scoped3A : memref<!tpu.dma_semaphore, #tpu.memory_space<semaphore_mem>>) {add = true}
      %dma_wait3A_93 = arith.constant 0 : i32
      %dma_wait3A_94 = arith.constant 0 : i32
      %dma_wait3A_95 = tpu.memref_slice %arg13[%dma_wait3A_93, %dma_wait3A_94] : memref<10240x64xf32, #tpu.memory_space<vmem_shared>> -> memref<10240x64xf32, #tpu.memory_space<vmem_shared>>
      tpu.wait_indirect_dma semaphore(%run_scoped3A : memref<!tpu.dma_semaphore, #tpu.memory_space<semaphore_mem>>) src(%arg11 : memref<640x64xf32, #tpu.memory_space<vmem>>) dst(%dma_wait3A_95 : memref<10240x64xf32, #tpu.memory_space<vmem_shared>>)
      tpu.yield
    }) : () -> ()
    %add3A_38 = arith.constant 2560 : i32
    %add3A_39 = arith.addi %mul3A_4, %add3A_38 : i32
    "tpu.region"() ({
      %run_scoped3A = tpu.sem_alloc : memref<!tpu.dma_semaphore, #tpu.memory_space<semaphore_mem>>
      %dma_start3A_90 = tpu.memref_slice %arg3[%add3A_39] : memref<160000xi32, #tpu.memory_space<hbm>> -> memref<640xi32, #tpu.memory_space<hbm>>
      %dma_start3A_91 = tpu.memref_slice %arg3[%add3A_39] : memref<160000xi32, #tpu.memory_space<hbm>> -> memref<640xi32, #tpu.memory_space<hbm>>
      tpu.enqueue_dma source(%dma_start3A_91 : memref<640xi32, #tpu.memory_space<hbm>>) target(%arg6 : memref<640xi32, #tpu.memory_space<vmem>>) target_semaphore(%run_scoped3A : memref<!tpu.dma_semaphore, #tpu.memory_space<semaphore_mem>>)
      %dma_wait3A_92 = tpu.memref_slice %arg3[%add3A_39] : memref<160000xi32, #tpu.memory_space<hbm>> -> memref<640xi32, #tpu.memory_space<hbm>>
      %dma_wait3A_93 = tpu.memref_slice %arg3[%add3A_39] : memref<160000xi32, #tpu.memory_space<hbm>> -> memref<640xi32, #tpu.memory_space<hbm>>
      tpu.wait_dma2 semaphore(%run_scoped3A : memref<!tpu.dma_semaphore, #tpu.memory_space<semaphore_mem>>) src(%dma_wait3A_93 : memref<640xi32, #tpu.memory_space<hbm>>) dst(%arg6 : memref<640xi32, #tpu.memory_space<vmem>>)
      tpu.yield
    }) : () -> ()
    %add3A_40 = arith.constant 1920 : i32
    %add3A_41 = arith.addi %mul3A_4, %add3A_40 : i32
    "tpu.region"() ({
      %run_scoped3A = tpu.sem_alloc : memref<!tpu.dma_semaphore, #tpu.memory_space<semaphore_mem>>
      %dma_start3A_90 = tpu.memref_slice %arg4[%add3A_41] : memref<160000xi32, #tpu.memory_space<hbm>> -> memref<640xi32, #tpu.memory_space<hbm>>
      %dma_start3A_91 = tpu.memref_slice %arg4[%add3A_41] : memref<160000xi32, #tpu.memory_space<hbm>> -> memref<640xi32, #tpu.memory_space<hbm>>
      tpu.enqueue_dma source(%dma_start3A_91 : memref<640xi32, #tpu.memory_space<hbm>>) target(%arg8 : memref<640xi32, #tpu.memory_space<vmem>>) target_semaphore(%run_scoped3A : memref<!tpu.dma_semaphore, #tpu.memory_space<semaphore_mem>>)
      %dma_wait3A_92 = tpu.memref_slice %arg4[%add3A_41] : memref<160000xi32, #tpu.memory_space<hbm>> -> memref<640xi32, #tpu.memory_space<hbm>>
      %dma_wait3A_93 = tpu.memref_slice %arg4[%add3A_41] : memref<160000xi32, #tpu.memory_space<hbm>> -> memref<640xi32, #tpu.memory_space<hbm>>
      tpu.wait_dma2 semaphore(%run_scoped3A : memref<!tpu.dma_semaphore, #tpu.memory_space<semaphore_mem>>) src(%dma_wait3A_93 : memref<640xi32, #tpu.memory_space<hbm>>) dst(%arg8 : memref<640xi32, #tpu.memory_space<vmem>>)
      tpu.yield
    }) : () -> ()
    %dma_wait3A_42 = arith.constant 0 : i32
    %dma_wait3A_43 = arith.constant 0 : i32
    %dma_wait3A_44 = tpu.memref_slice %arg2[%dma_wait3A_42, %dma_wait3A_43] : memref<10240x64xf32, #tpu.memory_space<hbm>> -> memref<10240x64xf32, #tpu.memory_space<hbm>>
    tpu.wait_indirect_dma semaphore(%arg14 : memref<!tpu.dma_semaphore, #tpu.memory_space<semaphore_mem>>) src(%dma_wait3A_44 : memref<10240x64xf32, #tpu.memory_space<hbm>>) dst(%arg12 : memref<640x64xf32, #tpu.memory_space<vmem>>)
    %dma_start3A_45 = arith.constant 0 : i32
    %dma_start3A_46 = arith.constant 0 : i32
    %dma_start3A_47 = tpu.memref_slice %arg2[%dma_start3A_45, %dma_start3A_46] : memref<10240x64xf32, #tpu.memory_space<hbm>> -> memref<10240x64xf32, #tpu.memory_space<hbm>>
    tpu.enqueue_indirect_dma source(%dma_start3A_47 : memref<10240x64xf32, #tpu.memory_space<hbm>>) target(%arg11 : memref<640x64xf32, #tpu.memory_space<vmem>>) offsets(%arg6 : memref<640xi32, #tpu.memory_space<vmem>>) semaphore(%arg14 : memref<!tpu.dma_semaphore, #tpu.memory_space<semaphore_mem>>)
    "tpu.region"() ({
      %run_scoped3A = tpu.sem_alloc : memref<!tpu.dma_semaphore, #tpu.memory_space<semaphore_mem>>
      %dma_start3A_90 = arith.constant 0 : i32
      %dma_start3A_91 = arith.constant 0 : i32
      %dma_start3A_92 = tpu.memref_slice %arg13[%dma_start3A_90, %dma_start3A_91] : memref<10240x64xf32, #tpu.memory_space<vmem_shared>> -> memref<10240x64xf32, #tpu.memory_space<vmem_shared>>
      tpu.enqueue_indirect_dma source(%arg12 : memref<640x64xf32, #tpu.memory_space<vmem>>) target(%dma_start3A_92 : memref<10240x64xf32, #tpu.memory_space<vmem_shared>>) offsets(%arg8 : memref<640xi32, #tpu.memory_space<vmem>>) semaphore(%run_scoped3A : memref<!tpu.dma_semaphore, #tpu.memory_space<semaphore_mem>>) {add = true}
      %dma_wait3A_93 = arith.constant 0 : i32
      %dma_wait3A_94 = arith.constant 0 : i32
      %dma_wait3A_95 = tpu.memref_slice %arg13[%dma_wait3A_93, %dma_wait3A_94] : memref<10240x64xf32, #tpu.memory_space<vmem_shared>> -> memref<10240x64xf32, #tpu.memory_space<vmem_shared>>
      tpu.wait_indirect_dma semaphore(%run_scoped3A : memref<!tpu.dma_semaphore, #tpu.memory_space<semaphore_mem>>) src(%arg12 : memref<640x64xf32, #tpu.memory_space<vmem>>) dst(%dma_wait3A_95 : memref<10240x64xf32, #tpu.memory_space<vmem_shared>>)
      tpu.yield
    }) : () -> ()
    %add3A_48 = arith.constant 3200 : i32
    %add3A_49 = arith.addi %mul3A_4, %add3A_48 : i32
    "tpu.region"() ({
      %run_scoped3A = tpu.sem_alloc : memref<!tpu.dma_semaphore, #tpu.memory_space<semaphore_mem>>
      %dma_start3A_90 = tpu.memref_slice %arg3[%add3A_49] : memref<160000xi32, #tpu.memory_space<hbm>> -> memref<640xi32, #tpu.memory_space<hbm>>
      %dma_start3A_91 = tpu.memref_slice %arg3[%add3A_49] : memref<160000xi32, #tpu.memory_space<hbm>> -> memref<640xi32, #tpu.memory_space<hbm>>
      tpu.enqueue_dma source(%dma_start3A_91 : memref<640xi32, #tpu.memory_space<hbm>>) target(%arg7 : memref<640xi32, #tpu.memory_space<vmem>>) target_semaphore(%run_scoped3A : memref<!tpu.dma_semaphore, #tpu.memory_space<semaphore_mem>>)
      %dma_wait3A_92 = tpu.memref_slice %arg3[%add3A_49] : memref<160000xi32, #tpu.memory_space<hbm>> -> memref<640xi32, #tpu.memory_space<hbm>>
      %dma_wait3A_93 = tpu.memref_slice %arg3[%add3A_49] : memref<160000xi32, #tpu.memory_space<hbm>> -> memref<640xi32, #tpu.memory_space<hbm>>
      tpu.wait_dma2 semaphore(%run_scoped3A : memref<!tpu.dma_semaphore, #tpu.memory_space<semaphore_mem>>) src(%dma_wait3A_93 : memref<640xi32, #tpu.memory_space<hbm>>) dst(%arg7 : memref<640xi32, #tpu.memory_space<vmem>>)
      tpu.yield
    }) : () -> ()
    %add3A_50 = arith.constant 2560 : i32
    %add3A_51 = arith.addi %mul3A_4, %add3A_50 : i32
    "tpu.region"() ({
      %run_scoped3A = tpu.sem_alloc : memref<!tpu.dma_semaphore, #tpu.memory_space<semaphore_mem>>
      %dma_start3A_90 = tpu.memref_slice %arg4[%add3A_51] : memref<160000xi32, #tpu.memory_space<hbm>> -> memref<640xi32, #tpu.memory_space<hbm>>
      %dma_start3A_91 = tpu.memref_slice %arg4[%add3A_51] : memref<160000xi32, #tpu.memory_space<hbm>> -> memref<640xi32, #tpu.memory_space<hbm>>
      tpu.enqueue_dma source(%dma_start3A_91 : memref<640xi32, #tpu.memory_space<hbm>>) target(%arg8 : memref<640xi32, #tpu.memory_space<vmem>>) target_semaphore(%run_scoped3A : memref<!tpu.dma_semaphore, #tpu.memory_space<semaphore_mem>>)
      %dma_wait3A_92 = tpu.memref_slice %arg4[%add3A_51] : memref<160000xi32, #tpu.memory_space<hbm>> -> memref<640xi32, #tpu.memory_space<hbm>>
      %dma_wait3A_93 = tpu.memref_slice %arg4[%add3A_51] : memref<160000xi32, #tpu.memory_space<hbm>> -> memref<640xi32, #tpu.memory_space<hbm>>
      tpu.wait_dma2 semaphore(%run_scoped3A : memref<!tpu.dma_semaphore, #tpu.memory_space<semaphore_mem>>) src(%dma_wait3A_93 : memref<640xi32, #tpu.memory_space<hbm>>) dst(%arg8 : memref<640xi32, #tpu.memory_space<vmem>>)
      tpu.yield
    }) : () -> ()
    %dma_wait3A_52 = arith.constant 0 : i32
    %dma_wait3A_53 = arith.constant 0 : i32
    %dma_wait3A_54 = tpu.memref_slice %arg2[%dma_wait3A_52, %dma_wait3A_53] : memref<10240x64xf32, #tpu.memory_space<hbm>> -> memref<10240x64xf32, #tpu.memory_space<hbm>>
    tpu.wait_indirect_dma semaphore(%arg14 : memref<!tpu.dma_semaphore, #tpu.memory_space<semaphore_mem>>) src(%dma_wait3A_54 : memref<10240x64xf32, #tpu.memory_space<hbm>>) dst(%arg11 : memref<640x64xf32, #tpu.memory_space<vmem>>)
    %dma_start3A_55 = arith.constant 0 : i32
    %dma_start3A_56 = arith.constant 0 : i32
    %dma_start3A_57 = tpu.memref_slice %arg2[%dma_start3A_55, %dma_start3A_56] : memref<10240x64xf32, #tpu.memory_space<hbm>> -> memref<10240x64xf32, #tpu.memory_space<hbm>>
    tpu.enqueue_indirect_dma source(%dma_start3A_57 : memref<10240x64xf32, #tpu.memory_space<hbm>>) target(%arg12 : memref<640x64xf32, #tpu.memory_space<vmem>>) offsets(%arg7 : memref<640xi32, #tpu.memory_space<vmem>>) semaphore(%arg14 : memref<!tpu.dma_semaphore, #tpu.memory_space<semaphore_mem>>)
    "tpu.region"() ({
      %run_scoped3A = tpu.sem_alloc : memref<!tpu.dma_semaphore, #tpu.memory_space<semaphore_mem>>
      %dma_start3A_90 = arith.constant 0 : i32
      %dma_start3A_91 = arith.constant 0 : i32
      %dma_start3A_92 = tpu.memref_slice %arg13[%dma_start3A_90, %dma_start3A_91] : memref<10240x64xf32, #tpu.memory_space<vmem_shared>> -> memref<10240x64xf32, #tpu.memory_space<vmem_shared>>
      tpu.enqueue_indirect_dma source(%arg11 : memref<640x64xf32, #tpu.memory_space<vmem>>) target(%dma_start3A_92 : memref<10240x64xf32, #tpu.memory_space<vmem_shared>>) offsets(%arg8 : memref<640xi32, #tpu.memory_space<vmem>>) semaphore(%run_scoped3A : memref<!tpu.dma_semaphore, #tpu.memory_space<semaphore_mem>>) {add = true}
      %dma_wait3A_93 = arith.constant 0 : i32
      %dma_wait3A_94 = arith.constant 0 : i32
      %dma_wait3A_95 = tpu.memref_slice %arg13[%dma_wait3A_93, %dma_wait3A_94] : memref<10240x64xf32, #tpu.memory_space<vmem_shared>> -> memref<10240x64xf32, #tpu.memory_space<vmem_shared>>
      tpu.wait_indirect_dma semaphore(%run_scoped3A : memref<!tpu.dma_semaphore, #tpu.memory_space<semaphore_mem>>) src(%arg11 : memref<640x64xf32, #tpu.memory_space<vmem>>) dst(%dma_wait3A_95 : memref<10240x64xf32, #tpu.memory_space<vmem_shared>>)
      tpu.yield
    }) : () -> ()
    %add3A_58 = arith.constant 3840 : i32
    %add3A_59 = arith.addi %mul3A_4, %add3A_58 : i32
    "tpu.region"() ({
      %run_scoped3A = tpu.sem_alloc : memref<!tpu.dma_semaphore, #tpu.memory_space<semaphore_mem>>
      %dma_start3A_90 = tpu.memref_slice %arg3[%add3A_59] : memref<160000xi32, #tpu.memory_space<hbm>> -> memref<640xi32, #tpu.memory_space<hbm>>
      %dma_start3A_91 = tpu.memref_slice %arg3[%add3A_59] : memref<160000xi32, #tpu.memory_space<hbm>> -> memref<640xi32, #tpu.memory_space<hbm>>
      tpu.enqueue_dma source(%dma_start3A_91 : memref<640xi32, #tpu.memory_space<hbm>>) target(%arg6 : memref<640xi32, #tpu.memory_space<vmem>>) target_semaphore(%run_scoped3A : memref<!tpu.dma_semaphore, #tpu.memory_space<semaphore_mem>>)
      %dma_wait3A_92 = tpu.memref_slice %arg3[%add3A_59] : memref<160000xi32, #tpu.memory_space<hbm>> -> memref<640xi32, #tpu.memory_space<hbm>>
      %dma_wait3A_93 = tpu.memref_slice %arg3[%add3A_59] : memref<160000xi32, #tpu.memory_space<hbm>> -> memref<640xi32, #tpu.memory_space<hbm>>
      tpu.wait_dma2 semaphore(%run_scoped3A : memref<!tpu.dma_semaphore, #tpu.memory_space<semaphore_mem>>) src(%dma_wait3A_93 : memref<640xi32, #tpu.memory_space<hbm>>) dst(%arg6 : memref<640xi32, #tpu.memory_space<vmem>>)
      tpu.yield
    }) : () -> ()
    %add3A_60 = arith.constant 3200 : i32
    %add3A_61 = arith.addi %mul3A_4, %add3A_60 : i32
    "tpu.region"() ({
      %run_scoped3A = tpu.sem_alloc : memref<!tpu.dma_semaphore, #tpu.memory_space<semaphore_mem>>
      %dma_start3A_90 = tpu.memref_slice %arg4[%add3A_61] : memref<160000xi32, #tpu.memory_space<hbm>> -> memref<640xi32, #tpu.memory_space<hbm>>
      %dma_start3A_91 = tpu.memref_slice %arg4[%add3A_61] : memref<160000xi32, #tpu.memory_space<hbm>> -> memref<640xi32, #tpu.memory_space<hbm>>
      tpu.enqueue_dma source(%dma_start3A_91 : memref<640xi32, #tpu.memory_space<hbm>>) target(%arg8 : memref<640xi32, #tpu.memory_space<vmem>>) target_semaphore(%run_scoped3A : memref<!tpu.dma_semaphore, #tpu.memory_space<semaphore_mem>>)
      %dma_wait3A_92 = tpu.memref_slice %arg4[%add3A_61] : memref<160000xi32, #tpu.memory_space<hbm>> -> memref<640xi32, #tpu.memory_space<hbm>>
      %dma_wait3A_93 = tpu.memref_slice %arg4[%add3A_61] : memref<160000xi32, #tpu.memory_space<hbm>> -> memref<640xi32, #tpu.memory_space<hbm>>
      tpu.wait_dma2 semaphore(%run_scoped3A : memref<!tpu.dma_semaphore, #tpu.memory_space<semaphore_mem>>) src(%dma_wait3A_93 : memref<640xi32, #tpu.memory_space<hbm>>) dst(%arg8 : memref<640xi32, #tpu.memory_space<vmem>>)
      tpu.yield
    }) : () -> ()
    %dma_wait3A_62 = arith.constant 0 : i32
    %dma_wait3A_63 = arith.constant 0 : i32
    %dma_wait3A_64 = tpu.memref_slice %arg2[%dma_wait3A_62, %dma_wait3A_63] : memref<10240x64xf32, #tpu.memory_space<hbm>> -> memref<10240x64xf32, #tpu.memory_space<hbm>>
    tpu.wait_indirect_dma semaphore(%arg14 : memref<!tpu.dma_semaphore, #tpu.memory_space<semaphore_mem>>) src(%dma_wait3A_64 : memref<10240x64xf32, #tpu.memory_space<hbm>>) dst(%arg12 : memref<640x64xf32, #tpu.memory_space<vmem>>)
    %dma_start3A_65 = arith.constant 0 : i32
    %dma_start3A_66 = arith.constant 0 : i32
    %dma_start3A_67 = tpu.memref_slice %arg2[%dma_start3A_65, %dma_start3A_66] : memref<10240x64xf32, #tpu.memory_space<hbm>> -> memref<10240x64xf32, #tpu.memory_space<hbm>>
    tpu.enqueue_indirect_dma source(%dma_start3A_67 : memref<10240x64xf32, #tpu.memory_space<hbm>>) target(%arg11 : memref<640x64xf32, #tpu.memory_space<vmem>>) offsets(%arg6 : memref<640xi32, #tpu.memory_space<vmem>>) semaphore(%arg14 : memref<!tpu.dma_semaphore, #tpu.memory_space<semaphore_mem>>)
    "tpu.region"() ({
      %run_scoped3A = tpu.sem_alloc : memref<!tpu.dma_semaphore, #tpu.memory_space<semaphore_mem>>
      %dma_start3A_90 = arith.constant 0 : i32
      %dma_start3A_91 = arith.constant 0 : i32
      %dma_start3A_92 = tpu.memref_slice %arg13[%dma_start3A_90, %dma_start3A_91] : memref<10240x64xf32, #tpu.memory_space<vmem_shared>> -> memref<10240x64xf32, #tpu.memory_space<vmem_shared>>
      tpu.enqueue_indirect_dma source(%arg12 : memref<640x64xf32, #tpu.memory_space<vmem>>) target(%dma_start3A_92 : memref<10240x64xf32, #tpu.memory_space<vmem_shared>>) offsets(%arg8 : memref<640xi32, #tpu.memory_space<vmem>>) semaphore(%run_scoped3A : memref<!tpu.dma_semaphore, #tpu.memory_space<semaphore_mem>>) {add = true}
      %dma_wait3A_93 = arith.constant 0 : i32
      %dma_wait3A_94 = arith.constant 0 : i32
      %dma_wait3A_95 = tpu.memref_slice %arg13[%dma_wait3A_93, %dma_wait3A_94] : memref<10240x64xf32, #tpu.memory_space<vmem_shared>> -> memref<10240x64xf32, #tpu.memory_space<vmem_shared>>
      tpu.wait_indirect_dma semaphore(%run_scoped3A : memref<!tpu.dma_semaphore, #tpu.memory_space<semaphore_mem>>) src(%arg12 : memref<640x64xf32, #tpu.memory_space<vmem>>) dst(%dma_wait3A_95 : memref<10240x64xf32, #tpu.memory_space<vmem_shared>>)
      tpu.yield
    }) : () -> ()
    %add3A_68 = arith.constant 4480 : i32
    %add3A_69 = arith.addi %mul3A_4, %add3A_68 : i32
    "tpu.region"() ({
      %run_scoped3A = tpu.sem_alloc : memref<!tpu.dma_semaphore, #tpu.memory_space<semaphore_mem>>
      %dma_start3A_90 = tpu.memref_slice %arg3[%add3A_69] : memref<160000xi32, #tpu.memory_space<hbm>> -> memref<520xi32, #tpu.memory_space<hbm>>
      %dma_start3A_91 = tpu.memref_slice %arg3[%add3A_69] : memref<160000xi32, #tpu.memory_space<hbm>> -> memref<520xi32, #tpu.memory_space<hbm>>
      tpu.enqueue_dma source(%dma_start3A_91 : memref<520xi32, #tpu.memory_space<hbm>>) target(%arg9 : memref<520xi32, #tpu.memory_space<vmem>>) target_semaphore(%run_scoped3A : memref<!tpu.dma_semaphore, #tpu.memory_space<semaphore_mem>>)
      %dma_wait3A_92 = tpu.memref_slice %arg3[%add3A_69] : memref<160000xi32, #tpu.memory_space<hbm>> -> memref<520xi32, #tpu.memory_space<hbm>>
      %dma_wait3A_93 = tpu.memref_slice %arg3[%add3A_69] : memref<160000xi32, #tpu.memory_space<hbm>> -> memref<520xi32, #tpu.memory_space<hbm>>
      tpu.wait_dma2 semaphore(%run_scoped3A : memref<!tpu.dma_semaphore, #tpu.memory_space<semaphore_mem>>) src(%dma_wait3A_93 : memref<520xi32, #tpu.memory_space<hbm>>) dst(%arg9 : memref<520xi32, #tpu.memory_space<vmem>>)
      tpu.yield
    }) : () -> ()
    %add3A_70 = arith.constant 3840 : i32
    %add3A_71 = arith.addi %mul3A_4, %add3A_70 : i32
    "tpu.region"() ({
      %run_scoped3A = tpu.sem_alloc : memref<!tpu.dma_semaphore, #tpu.memory_space<semaphore_mem>>
      %dma_start3A_90 = tpu.memref_slice %arg4[%add3A_71] : memref<160000xi32, #tpu.memory_space<hbm>> -> memref<640xi32, #tpu.memory_space<hbm>>
      %dma_start3A_91 = tpu.memref_slice %arg4[%add3A_71] : memref<160000xi32, #tpu.memory_space<hbm>> -> memref<640xi32, #tpu.memory_space<hbm>>
      tpu.enqueue_dma source(%dma_start3A_91 : memref<640xi32, #tpu.memory_space<hbm>>) target(%arg8 : memref<640xi32, #tpu.memory_space<vmem>>) target_semaphore(%run_scoped3A : memref<!tpu.dma_semaphore, #tpu.memory_space<semaphore_mem>>)
      %dma_wait3A_92 = tpu.memref_slice %arg4[%add3A_71] : memref<160000xi32, #tpu.memory_space<hbm>> -> memref<640xi32, #tpu.memory_space<hbm>>
      %dma_wait3A_93 = tpu.memref_slice %arg4[%add3A_71] : memref<160000xi32, #tpu.memory_space<hbm>> -> memref<640xi32, #tpu.memory_space<hbm>>
      tpu.wait_dma2 semaphore(%run_scoped3A : memref<!tpu.dma_semaphore, #tpu.memory_space<semaphore_mem>>) src(%dma_wait3A_93 : memref<640xi32, #tpu.memory_space<hbm>>) dst(%arg8 : memref<640xi32, #tpu.memory_space<vmem>>)
      tpu.yield
    }) : () -> ()
    %dma_wait3A_72 = arith.constant 0 : i32
    %dma_wait3A_73 = arith.constant 0 : i32
    %dma_wait3A_74 = tpu.memref_slice %arg2[%dma_wait3A_72, %dma_wait3A_73] : memref<10240x64xf32, #tpu.memory_space<hbm>> -> memref<10240x64xf32, #tpu.memory_space<hbm>>
    tpu.wait_indirect_dma semaphore(%arg14 : memref<!tpu.dma_semaphore, #tpu.memory_space<semaphore_mem>>) src(%dma_wait3A_74 : memref<10240x64xf32, #tpu.memory_space<hbm>>) dst(%arg11 : memref<640x64xf32, #tpu.memory_space<vmem>>)
    %dma_start3A_75 = arith.constant 0 : i32
    %dma_start3A_76 = arith.constant 0 : i32
    %dma_start3A_77 = tpu.memref_slice %arg12[%dma_start3A_75, %dma_start3A_76] : memref<640x64xf32, #tpu.memory_space<vmem>> -> memref<520x64xf32, #tpu.memory_space<vmem>>
    %dma_start3A_78 = arith.constant 0 : i32
    %dma_start3A_79 = arith.constant 0 : i32
    %dma_start3A_80 = tpu.memref_slice %arg2[%dma_start3A_78, %dma_start3A_79] : memref<10240x64xf32, #tpu.memory_space<hbm>> -> memref<10240x64xf32, #tpu.memory_space<hbm>>
    tpu.enqueue_indirect_dma source(%dma_start3A_80 : memref<10240x64xf32, #tpu.memory_space<hbm>>) target(%dma_start3A_77 : memref<520x64xf32, #tpu.memory_space<vmem>>) offsets(%arg9 : memref<520xi32, #tpu.memory_space<vmem>>) semaphore(%arg14 : memref<!tpu.dma_semaphore, #tpu.memory_space<semaphore_mem>>)
    "tpu.region"() ({
      %run_scoped3A = tpu.sem_alloc : memref<!tpu.dma_semaphore, #tpu.memory_space<semaphore_mem>>
      %dma_start3A_90 = arith.constant 0 : i32
      %dma_start3A_91 = arith.constant 0 : i32
      %dma_start3A_92 = tpu.memref_slice %arg13[%dma_start3A_90, %dma_start3A_91] : memref<10240x64xf32, #tpu.memory_space<vmem_shared>> -> memref<10240x64xf32, #tpu.memory_space<vmem_shared>>
      tpu.enqueue_indirect_dma source(%arg11 : memref<640x64xf32, #tpu.memory_space<vmem>>) target(%dma_start3A_92 : memref<10240x64xf32, #tpu.memory_space<vmem_shared>>) offsets(%arg8 : memref<640xi32, #tpu.memory_space<vmem>>) semaphore(%run_scoped3A : memref<!tpu.dma_semaphore, #tpu.memory_space<semaphore_mem>>) {add = true}
      %dma_wait3A_93 = arith.constant 0 : i32
      %dma_wait3A_94 = arith.constant 0 : i32
      %dma_wait3A_95 = tpu.memref_slice %arg13[%dma_wait3A_93, %dma_wait3A_94] : memref<10240x64xf32, #tpu.memory_space<vmem_shared>> -> memref<10240x64xf32, #tpu.memory_space<vmem_shared>>
      tpu.wait_indirect_dma semaphore(%run_scoped3A : memref<!tpu.dma_semaphore, #tpu.memory_space<semaphore_mem>>) src(%arg11 : memref<640x64xf32, #tpu.memory_space<vmem>>) dst(%dma_wait3A_95 : memref<10240x64xf32, #tpu.memory_space<vmem_shared>>)
      tpu.yield
    }) : () -> ()
    %add3A_81 = arith.constant 4480 : i32
    %add3A_82 = arith.addi %mul3A_4, %add3A_81 : i32
    "tpu.region"() ({
      %run_scoped3A = tpu.sem_alloc : memref<!tpu.dma_semaphore, #tpu.memory_space<semaphore_mem>>
      %dma_start3A_90 = tpu.memref_slice %arg4[%add3A_82] : memref<160000xi32, #tpu.memory_space<hbm>> -> memref<520xi32, #tpu.memory_space<hbm>>
      %dma_start3A_91 = tpu.memref_slice %arg4[%add3A_82] : memref<160000xi32, #tpu.memory_space<hbm>> -> memref<520xi32, #tpu.memory_space<hbm>>
      tpu.enqueue_dma source(%dma_start3A_91 : memref<520xi32, #tpu.memory_space<hbm>>) target(%arg10 : memref<520xi32, #tpu.memory_space<vmem>>) target_semaphore(%run_scoped3A : memref<!tpu.dma_semaphore, #tpu.memory_space<semaphore_mem>>)
      %dma_wait3A_92 = tpu.memref_slice %arg4[%add3A_82] : memref<160000xi32, #tpu.memory_space<hbm>> -> memref<520xi32, #tpu.memory_space<hbm>>
      %dma_wait3A_93 = tpu.memref_slice %arg4[%add3A_82] : memref<160000xi32, #tpu.memory_space<hbm>> -> memref<520xi32, #tpu.memory_space<hbm>>
      tpu.wait_dma2 semaphore(%run_scoped3A : memref<!tpu.dma_semaphore, #tpu.memory_space<semaphore_mem>>) src(%dma_wait3A_93 : memref<520xi32, #tpu.memory_space<hbm>>) dst(%arg10 : memref<520xi32, #tpu.memory_space<vmem>>)
      tpu.yield
    }) : () -> ()
    %dma_wait3A_83 = arith.constant 0 : i32
    %dma_wait3A_84 = arith.constant 0 : i32
    %dma_wait3A_85 = tpu.memref_slice %arg12[%dma_wait3A_83, %dma_wait3A_84] : memref<640x64xf32, #tpu.memory_space<vmem>> -> memref<520x64xf32, #tpu.memory_space<vmem>>
    %dma_wait3A_86 = arith.constant 0 : i32
    %dma_wait3A_87 = arith.constant 0 : i32
    %dma_wait3A_88 = tpu.memref_slice %arg2[%dma_wait3A_86, %dma_wait3A_87] : memref<10240x64xf32, #tpu.memory_space<hbm>> -> memref<10240x64xf32, #tpu.memory_space<hbm>>
    tpu.wait_indirect_dma semaphore(%arg14 : memref<!tpu.dma_semaphore, #tpu.memory_space<semaphore_mem>>) src(%dma_wait3A_88 : memref<10240x64xf32, #tpu.memory_space<hbm>>) dst(%dma_wait3A_85 : memref<520x64xf32, #tpu.memory_space<vmem>>)
    "tpu.region"() ({
      %run_scoped3A = tpu.sem_alloc : memref<!tpu.dma_semaphore, #tpu.memory_space<semaphore_mem>>
      %dma_start3A_90 = arith.constant 0 : i32
      %dma_start3A_91 = arith.constant 0 : i32
      %dma_start3A_92 = tpu.memref_slice %arg12[%dma_start3A_90, %dma_start3A_91] : memref<640x64xf32, #tpu.memory_space<vmem>> -> memref<520x64xf32, #tpu.memory_space<vmem>>
      %dma_start3A_93 = arith.constant 0 : i32
      %dma_start3A_94 = arith.constant 0 : i32
      %dma_start3A_95 = tpu.memref_slice %arg13[%dma_start3A_93, %dma_start3A_94] : memref<10240x64xf32, #tpu.memory_space<vmem_shared>> -> memref<10240x64xf32, #tpu.memory_space<vmem_shared>>
      tpu.enqueue_indirect_dma source(%dma_start3A_92 : memref<520x64xf32, #tpu.memory_space<vmem>>) target(%dma_start3A_95 : memref<10240x64xf32, #tpu.memory_space<vmem_shared>>) offsets(%arg10 : memref<520xi32, #tpu.memory_space<vmem>>) semaphore(%run_scoped3A : memref<!tpu.dma_semaphore, #tpu.memory_space<semaphore_mem>>) {add = true}
      %dma_wait3A_96 = arith.constant 0 : i32
      %dma_wait3A_97 = arith.constant 0 : i32
      %dma_wait3A_98 = tpu.memref_slice %arg12[%dma_wait3A_96, %dma_wait3A_97] : memref<640x64xf32, #tpu.memory_space<vmem>> -> memref<520x64xf32, #tpu.memory_space<vmem>>
      %dma_wait3A_99 = arith.constant 0 : i32
      %dma_wait3A_100 = arith.constant 0 : i32
      %dma_wait3A_101 = tpu.memref_slice %arg13[%dma_wait3A_99, %dma_wait3A_100] : memref<10240x64xf32, #tpu.memory_space<vmem_shared>> -> memref<10240x64xf32, #tpu.memory_space<vmem_shared>>
      tpu.wait_indirect_dma semaphore(%run_scoped3A : memref<!tpu.dma_semaphore, #tpu.memory_space<semaphore_mem>>) src(%dma_wait3A_98 : memref<520x64xf32, #tpu.memory_space<vmem>>) dst(%dma_wait3A_101 : memref<10240x64xf32, #tpu.memory_space<vmem_shared>>)
      tpu.yield
    }) : () -> ()
    %barrier3A_89 = arith.constant 0 : index
    tpu.barrier barrier_id(%barrier3A_89)
    "tpu.region"() ({
      %run_scoped3A = tpu.sem_alloc : memref<!tpu.dma_semaphore, #tpu.memory_space<semaphore_mem>>
      %dma_start3A_90 = arith.constant 0 : i32
      %dma_start3A_91 = tpu.memref_slice %arg5[%arg0, %mul3A_2, %dma_start3A_90] : memref<2x10240x64xf32, #tpu.memory_space<hbm>> -> memref<1x640x64xf32, #tpu.memory_space<hbm>>
      %dma_start3A_92 = tpu.memref_squeeze %dma_start3A_91 : memref<1x640x64xf32, #tpu.memory_space<hbm>> -> memref<640x64xf32, #tpu.memory_space<hbm>>
      %dma_start3A_93 = arith.constant 0 : i32
      %dma_start3A_94 = tpu.memref_slice %arg13[%mul3A_2, %dma_start3A_93] : memref<10240x64xf32, #tpu.memory_space<vmem_shared>> -> memref<640x64xf32, #tpu.memory_space<vmem_shared>>
      tpu.enqueue_dma source(%dma_start3A_94 : memref<640x64xf32, #tpu.memory_space<vmem_shared>>) target(%dma_start3A_92 : memref<640x64xf32, #tpu.memory_space<hbm>>) target_semaphore(%run_scoped3A : memref<!tpu.dma_semaphore, #tpu.memory_space<semaphore_mem>>)
      %dma_wait3A_95 = arith.constant 0 : i32
      %dma_wait3A_96 = tpu.memref_slice %arg5[%arg0, %mul3A_2, %dma_wait3A_95] : memref<2x10240x64xf32, #tpu.memory_space<hbm>> -> memref<1x640x64xf32, #tpu.memory_space<hbm>>
      %dma_wait3A_97 = tpu.memref_squeeze %dma_wait3A_96 : memref<1x640x64xf32, #tpu.memory_space<hbm>> -> memref<640x64xf32, #tpu.memory_space<hbm>>
      %dma_wait3A_98 = arith.constant 0 : i32
      %dma_wait3A_99 = tpu.memref_slice %arg13[%mul3A_2, %dma_wait3A_98] : memref<10240x64xf32, #tpu.memory_space<vmem_shared>> -> memref<640x64xf32, #tpu.memory_space<vmem_shared>>
      tpu.wait_dma2 semaphore(%run_scoped3A : memref<!tpu.dma_semaphore, #tpu.memory_space<semaphore_mem>>) src(%dma_wait3A_99 : memref<640x64xf32, #tpu.memory_space<vmem_shared>>) dst(%dma_wait3A_97 : memref<640x64xf32, #tpu.memory_space<hbm>>)
      tpu.yield
    }) : () -> ()
    return
  }
}

#map = affine_map<(d0, d1) -> (0)>
module attributes {stable_mosaic.version = 14 : i64} {
  func.func @_deg_body(%arg0: i32, %arg1: i32, %arg2: memref<160000xi32, #tpu.memory_space<hbm>>, %arg3: memref<20480xf32, #tpu.memory_space<hbm>>, %arg4: memref<160000xf32, #tpu.memory_space<hbm>>, %arg5: memref<20480xf32, #tpu.memory_space<hbm>>, %arg6: memref<5000xi32, #tpu.memory_space<vmem>>, %arg7: memref<5000xf32, #tpu.memory_space<vmem>>, %arg8: memref<10240xf32, #tpu.memory_space<vmem_shared>>) attributes {dimension_semantics = [#tpu.dimension_semantics<core_parallel>, #tpu.dimension_semantics<subcore_parallel>], iteration_bounds = array<i64: 2, 16>, scalar_prefetch = 0 : i64, scratch_operands = 3 : i64, tpu.core_type = #tpu.core_type<sc_vector_subcore>, window_params = [{transform_indices = #map}, {transform_indices = #map}, {transform_indices = #map}, {transform_indices = #map}]} {
    %mul3A = arith.constant 16 : i32
    %mul3A_0 = arith.muli %arg0, %mul3A : i32
    %add3A = arith.addi %mul3A_0, %arg1 : i32
    %mul3A_1 = arith.constant 640 : i32
    %mul3A_2 = arith.muli %arg1, %mul3A_1 : i32
    %mul3A_3 = arith.constant 640 : i32
    %mul3A_4 = arith.muli %add3A, %mul3A_3 : i32
    "tpu.region"() ({
      %run_scoped3A = tpu.sem_alloc : memref<!tpu.dma_semaphore, #tpu.memory_space<semaphore_mem>>
      %dma_start3A = tpu.memref_slice %arg8[%mul3A_2] : memref<10240xf32, #tpu.memory_space<vmem_shared>> -> memref<640xf32, #tpu.memory_space<vmem_shared>>
      %dma_start3A_13 = tpu.memref_slice %arg3[%mul3A_4] : memref<20480xf32, #tpu.memory_space<hbm>> -> memref<640xf32, #tpu.memory_space<hbm>>
      tpu.enqueue_dma source(%dma_start3A_13 : memref<640xf32, #tpu.memory_space<hbm>>) target(%dma_start3A : memref<640xf32, #tpu.memory_space<vmem_shared>>) target_semaphore(%run_scoped3A : memref<!tpu.dma_semaphore, #tpu.memory_space<semaphore_mem>>)
      %dma_wait3A = tpu.memref_slice %arg8[%mul3A_2] : memref<10240xf32, #tpu.memory_space<vmem_shared>> -> memref<640xf32, #tpu.memory_space<vmem_shared>>
      %dma_wait3A_14 = tpu.memref_slice %arg3[%mul3A_4] : memref<20480xf32, #tpu.memory_space<hbm>> -> memref<640xf32, #tpu.memory_space<hbm>>
      tpu.wait_dma2 semaphore(%run_scoped3A : memref<!tpu.dma_semaphore, #tpu.memory_space<semaphore_mem>>) src(%dma_wait3A_14 : memref<640xf32, #tpu.memory_space<hbm>>) dst(%dma_wait3A : memref<640xf32, #tpu.memory_space<vmem_shared>>)
      tpu.yield
    }) : () -> ()
    %mul3A_5 = arith.constant 5000 : i32
    %mul3A_6 = arith.muli %add3A, %mul3A_5 : i32
    "tpu.region"() ({
      %run_scoped3A = tpu.sem_alloc : memref<!tpu.dma_semaphore, #tpu.memory_space<semaphore_mem>>
      %dma_start3A = tpu.memref_slice %arg4[%mul3A_6] : memref<160000xf32, #tpu.memory_space<hbm>> -> memref<5000xf32, #tpu.memory_space<hbm>>
      %dma_start3A_13 = tpu.memref_slice %arg4[%mul3A_6] : memref<160000xf32, #tpu.memory_space<hbm>> -> memref<5000xf32, #tpu.memory_space<hbm>>
      tpu.enqueue_dma source(%dma_start3A_13 : memref<5000xf32, #tpu.memory_space<hbm>>) target(%arg7 : memref<5000xf32, #tpu.memory_space<vmem>>) target_semaphore(%run_scoped3A : memref<!tpu.dma_semaphore, #tpu.memory_space<semaphore_mem>>)
      %dma_wait3A = tpu.memref_slice %arg4[%mul3A_6] : memref<160000xf32, #tpu.memory_space<hbm>> -> memref<5000xf32, #tpu.memory_space<hbm>>
      %dma_wait3A_14 = tpu.memref_slice %arg4[%mul3A_6] : memref<160000xf32, #tpu.memory_space<hbm>> -> memref<5000xf32, #tpu.memory_space<hbm>>
      tpu.wait_dma2 semaphore(%run_scoped3A : memref<!tpu.dma_semaphore, #tpu.memory_space<semaphore_mem>>) src(%dma_wait3A_14 : memref<5000xf32, #tpu.memory_space<hbm>>) dst(%arg7 : memref<5000xf32, #tpu.memory_space<vmem>>)
      tpu.yield
    }) : () -> ()
    %mul3A_7 = arith.constant 5000 : i32
    %mul3A_8 = arith.muli %add3A, %mul3A_7 : i32
    "tpu.region"() ({
      %run_scoped3A = tpu.sem_alloc : memref<!tpu.dma_semaphore, #tpu.memory_space<semaphore_mem>>
      %dma_start3A = tpu.memref_slice %arg2[%mul3A_8] : memref<160000xi32, #tpu.memory_space<hbm>> -> memref<5000xi32, #tpu.memory_space<hbm>>
      %dma_start3A_13 = tpu.memref_slice %arg2[%mul3A_8] : memref<160000xi32, #tpu.memory_space<hbm>> -> memref<5000xi32, #tpu.memory_space<hbm>>
      tpu.enqueue_dma source(%dma_start3A_13 : memref<5000xi32, #tpu.memory_space<hbm>>) target(%arg6 : memref<5000xi32, #tpu.memory_space<vmem>>) target_semaphore(%run_scoped3A : memref<!tpu.dma_semaphore, #tpu.memory_space<semaphore_mem>>)
      %dma_wait3A = tpu.memref_slice %arg2[%mul3A_8] : memref<160000xi32, #tpu.memory_space<hbm>> -> memref<5000xi32, #tpu.memory_space<hbm>>
      %dma_wait3A_14 = tpu.memref_slice %arg2[%mul3A_8] : memref<160000xi32, #tpu.memory_space<hbm>> -> memref<5000xi32, #tpu.memory_space<hbm>>
      tpu.wait_dma2 semaphore(%run_scoped3A : memref<!tpu.dma_semaphore, #tpu.memory_space<semaphore_mem>>) src(%dma_wait3A_14 : memref<5000xi32, #tpu.memory_space<hbm>>) dst(%arg6 : memref<5000xi32, #tpu.memory_space<vmem>>)
      tpu.yield
    }) : () -> ()
    %barrier3A = arith.constant 0 : index
    tpu.barrier barrier_id(%barrier3A)
    "tpu.region"() ({
      %run_scoped3A = tpu.sem_alloc : memref<!tpu.dma_semaphore, #tpu.memory_space<semaphore_mem>>
      %dma_start3A = arith.constant 0 : i32
      %dma_start3A_13 = tpu.memref_slice %arg8[%dma_start3A] : memref<10240xf32, #tpu.memory_space<vmem_shared>> -> memref<10240xf32, #tpu.memory_space<vmem_shared>>
      tpu.enqueue_indirect_dma source(%arg7 : memref<5000xf32, #tpu.memory_space<vmem>>) target(%dma_start3A_13 : memref<10240xf32, #tpu.memory_space<vmem_shared>>) offsets(%arg6 : memref<5000xi32, #tpu.memory_space<vmem>>) semaphore(%run_scoped3A : memref<!tpu.dma_semaphore, #tpu.memory_space<semaphore_mem>>) {add = true}
      %dma_wait3A = arith.constant 0 : i32
      %dma_wait3A_14 = tpu.memref_slice %arg8[%dma_wait3A] : memref<10240xf32, #tpu.memory_space<vmem_shared>> -> memref<10240xf32, #tpu.memory_space<vmem_shared>>
      tpu.wait_indirect_dma semaphore(%run_scoped3A : memref<!tpu.dma_semaphore, #tpu.memory_space<semaphore_mem>>) src(%arg7 : memref<5000xf32, #tpu.memory_space<vmem>>) dst(%dma_wait3A_14 : memref<10240xf32, #tpu.memory_space<vmem_shared>>)
      tpu.yield
    }) : () -> ()
    %barrier3A_9 = arith.constant 0 : index
    tpu.barrier barrier_id(%barrier3A_9)
    %mul3A_10 = arith.constant 10240 : i32
    %mul3A_11 = arith.muli %arg0, %mul3A_10 : i32
    %add3A_12 = arith.addi %mul3A_11, %mul3A_2 : i32
    "tpu.region"() ({
      %run_scoped3A = tpu.sem_alloc : memref<!tpu.dma_semaphore, #tpu.memory_space<semaphore_mem>>
      %dma_start3A = tpu.memref_slice %arg5[%add3A_12] : memref<20480xf32, #tpu.memory_space<hbm>> -> memref<640xf32, #tpu.memory_space<hbm>>
      %dma_start3A_13 = tpu.memref_slice %arg8[%mul3A_2] : memref<10240xf32, #tpu.memory_space<vmem_shared>> -> memref<640xf32, #tpu.memory_space<vmem_shared>>
      tpu.enqueue_dma source(%dma_start3A_13 : memref<640xf32, #tpu.memory_space<vmem_shared>>) target(%dma_start3A : memref<640xf32, #tpu.memory_space<hbm>>) target_semaphore(%run_scoped3A : memref<!tpu.dma_semaphore, #tpu.memory_space<semaphore_mem>>)
      %dma_wait3A = tpu.memref_slice %arg5[%add3A_12] : memref<20480xf32, #tpu.memory_space<hbm>> -> memref<640xf32, #tpu.memory_space<hbm>>
      %dma_wait3A_14 = tpu.memref_slice %arg8[%mul3A_2] : memref<10240xf32, #tpu.memory_space<vmem_shared>> -> memref<640xf32, #tpu.memory_space<vmem_shared>>
      tpu.wait_dma2 semaphore(%run_scoped3A : memref<!tpu.dma_semaphore, #tpu.memory_space<semaphore_mem>>) src(%dma_wait3A_14 : memref<640xf32, #tpu.memory_space<vmem_shared>>) dst(%dma_wait3A : memref<640xf32, #tpu.memory_space<hbm>>)
      tpu.yield
    }) : () -> ()
    return
  }
}

module attributes {stable_mosaic.version = 14 : i64} {
  func.func @_xw_body(%arg0: i32, %arg1: memref<2048x256xf32, #tpu.memory_space<vmem>>, %arg2: memref<256x64xf32, #tpu.memory_space<vmem>>, %arg3: memref<2048x64xf32, #tpu.memory_space<vmem>>) attributes {dimension_semantics = [#tpu.dimension_semantics<arbitrary>], iteration_bounds = array<i64: 5>, scalar_prefetch = 0 : i64, scratch_operands = 0 : i64, tpu.core_type = #tpu.core_type<tc>, window_params = [{transform_indices = @transform_0, window_bounds = array<i64: 2048, 256>}, {pipeline_mode = #tpu.pipeline_mode<synchronous>, transform_indices = @transform_1, window_bounds = array<i64: 256, 64>}, {transform_indices = @transform_2, window_bounds = array<i64: 2048, 64>}]} {
    %get3A = arith.constant 0 : index
    %get3A_0 = arith.constant 0 : index
    %get3A_1 = vector.load %arg1[%get3A, %get3A_0] : memref<2048x256xf32, #tpu.memory_space<vmem>>, vector<2048x256xf32>
    %get3A_2 = arith.constant 0 : index
    %get3A_3 = arith.constant 0 : index
    %get3A_4 = vector.load %arg2[%get3A_2, %get3A_3] : memref<256x64xf32, #tpu.memory_space<vmem>>, vector<256x64xf32>
    %dot_general3A = arith.constant dense<0.000000e+00> : vector<2048x64xf32>
    %dot_general3A_5 = tpu.matmul %get3A_1, %get3A_4, %dot_general3A {dimension_numbers = #tpu.dot_dimension_numbers<[1], [0], [0], [1], [0, 0, 1, 1], [], []>, transpose_lhs_hint = false} : vector<2048x256xf32>, vector<256x64xf32>, vector<2048x64xf32> -> vector<2048x64xf32>
    %swap3A = arith.constant 0 : index
    %swap3A_6 = arith.constant 0 : index
    %swap3A_7 = vector.load %arg3[%swap3A, %swap3A_6] : memref<2048x64xf32, #tpu.memory_space<vmem>>, vector<2048x64xf32>
    tpu.vector_store %arg3[%swap3A, %swap3A_6], %dot_general3A_5 {strides = array<i32>} : memref<2048x64xf32, #tpu.memory_space<vmem>>, vector<2048x64xf32>,
    return
  }
  func.func @transform_0(%arg0: i32) -> (i32, i32) {
    %c0_i32 = arith.constant 0 : i32
    %c0_i32_0 = arith.constant 0 : i32
    return %arg0, %c0_i32 : i32, i32
  }
  func.func @transform_1(%arg0: i32) -> (i32, i32) {
    %c0_i32 = arith.constant 0 : i32
    %c0_i32_0 = arith.constant 0 : i32
    %c0_i32_1 = arith.constant 0 : i32
    return %c0_i32, %c0_i32_0 : i32, i32
  }
  func.func @transform_2(%arg0: i32) -> (i32, i32) {
    %c0_i32 = arith.constant 0 : i32
    %c0_i32_0 = arith.constant 0 : i32
    return %arg0, %c0_i32 : i32, i32
  }
}

module attributes {stable_mosaic.version = 14 : i64} {
  func.func @_scale_body(%arg0: i32, %arg1: memref<2048x64xf32, #tpu.memory_space<vmem>>, %arg2: memref<2048xf32, #tpu.memory_space<vmem>>, %arg3: memref<2048xf32, #tpu.memory_space<vmem>>, %arg4: memref<2048x64xf32, #tpu.memory_space<vmem>>) attributes {dimension_semantics = [#tpu.dimension_semantics<arbitrary>], iteration_bounds = array<i64: 5>, scalar_prefetch = 0 : i64, scratch_operands = 0 : i64, tpu.core_type = #tpu.core_type<tc>, window_params = [{transform_indices = @transform_0, window_bounds = array<i64: 2048, 64>}, {transform_indices = @transform_1, window_bounds = array<i64: 2048>}, {transform_indices = @transform_2, window_bounds = array<i64: 2048>}, {transform_indices = @transform_3, window_bounds = array<i64: 2048, 64>}]} {
    %get3A = arith.constant 0 : index
    %get3A_0 = vector.load %arg2[%get3A] : memref<2048xf32, #tpu.memory_space<vmem>>, vector<2048xf32>
    %get3A_1 = arith.constant 0 : index
    %get3A_2 = vector.load %arg3[%get3A_1] : memref<2048xf32, #tpu.memory_space<vmem>>, vector<2048xf32>
    %add3A = arith.addf %get3A_0, %get3A_2 : vector<2048xf32>
    %add3A_3 = arith.constant 1.000000e+00 : f32
    %add3A_4 = vector.broadcast %add3A_3 : f32 to vector<2048xf32>
    %add3A_5 = arith.addf %add3A, %add3A_4 : vector<2048xf32>
    %rsqrt3A = math.rsqrt %add3A_5 : vector<2048xf32>
    %iota3A = tpu.iota {dimensions = array<i32: 0>} : vector<2048x1xi32>
    %mul3A = arith.constant 2048 : i32
    %mul3A_6 = arith.muli %arg0, %mul3A : i32
    %add3A_7 = vector.broadcast %mul3A_6 : i32 to vector<2048x1xi32>
    %add3A_8 = arith.addi %iota3A, %add3A_7 : vector<2048x1xi32>
    %lt3A = arith.constant 10000 : i32
    %lt3A_9 = vector.broadcast %lt3A : i32 to vector<2048x1xi32>
    %lt3A_10 = arith.cmpi slt, %add3A_8, %lt3A_9 : vector<2048x1xi32>
    %get3A_11 = arith.constant 0 : index
    %get3A_12 = arith.constant 0 : index
    %get3A_13 = vector.load %arg1[%get3A_11, %get3A_12] : memref<2048x64xf32, #tpu.memory_space<vmem>>, vector<2048x64xf32>
    %broadcast_in_dim3A = vector.shape_cast %rsqrt3A : vector<2048xf32> to vector<2048x1xf32>
    %mul3A_14 = vector.broadcast %broadcast_in_dim3A : vector<2048x1xf32> to vector<2048x64xf32>
    %mul3A_15 = arith.mulf %get3A_13, %mul3A_14 : vector<2048x64xf32>
    %jit3A = arith.constant 0.000000e+00 : f32
    %broadcast_in_dim3A_16 = vector.shape_cast %lt3A_10 : vector<2048x1xi1> to vector<2048x1xi1>
    %broadcast_in_dim3A_17 = vector.broadcast %broadcast_in_dim3A_16 : vector<2048x1xi1> to vector<2048x64xi1>
    %broadcast_in_dim3A_18 = vector.broadcast %jit3A : f32 to vector<2048x64xf32>
    %select_n3A = arith.select %broadcast_in_dim3A_17, %mul3A_15, %broadcast_in_dim3A_18 : vector<2048x64xi1>, vector<2048x64xf32>
    %swap3A = arith.constant 0 : index
    %swap3A_19 = arith.constant 0 : index
    %swap3A_20 = vector.load %arg4[%swap3A, %swap3A_19] : memref<2048x64xf32, #tpu.memory_space<vmem>>, vector<2048x64xf32>
    tpu.vector_store %arg4[%swap3A, %swap3A_19], %select_n3A {strides = array<i32>} : memref<2048x64xf32, #tpu.memory_space<vmem>>, vector<2048x64xf32>,
    return
  }
  func.func @transform_0(%arg0: i32) -> (i32, i32) {
    %c0_i32 = arith.constant 0 : i32
    %c0_i32_0 = arith.constant 0 : i32
    return %arg0, %c0_i32 : i32, i32
  }
  func.func @transform_1(%arg0: i32) -> i32 {
    %c0_i32 = arith.constant 0 : i32
    return %arg0 : i32
  }
  func.func @transform_2(%arg0: i32) -> i32 {
    %c0_i32 = arith.constant 0 : i32
    return %arg0 : i32
  }
  func.func @transform_3(%arg0: i32) -> (i32, i32) {
    %c0_i32 = arith.constant 0 : i32
    %c0_i32_0 = arith.constant 0 : i32
    return %arg0, %c0_i32 : i32, i32
  }
}

module attributes {stable_mosaic.version = 14 : i64} {
  func.func @_fin_body(%arg0: i32, %arg1: memref<2x1024x128xf32, #tpu.memory_space<vmem>>, %arg2: memref<1024x128xf32, #tpu.memory_space<vmem>>, %arg3: memref<1024xf32, #tpu.memory_space<vmem>>, %arg4: memref<1024xf32, #tpu.memory_space<vmem>>, %arg5: memref<64x32xf32, #tpu.memory_space<vmem>>, %arg6: memref<64x32xf32, #tpu.memory_space<vmem>>, %arg7: memref<1x32xf32, #tpu.memory_space<vmem>>, %arg8: memref<1x32xf32, #tpu.memory_space<vmem>>, %arg9: memref<1x32xf32, #tpu.memory_space<vmem>>, %arg10: memref<1x1xf32, #tpu.memory_space<vmem>>, %arg11: memref<1024xf32, #tpu.memory_space<vmem>>, %arg12: memref<1024xf32, #tpu.memory_space<vmem>>) attributes {dimension_semantics = [#tpu.dimension_semantics<arbitrary>], iteration_bounds = array<i64: 5>, scalar_prefetch = 0 : i64, scratch_operands = 0 : i64, tpu.core_type = #tpu.core_type<tc>, window_params = [{transform_indices = @transform_0, window_bounds = array<i64: 2, 1024, 128>}, {transform_indices = @transform_1, window_bounds = array<i64: 1024, 128>}, {transform_indices = @transform_2, window_bounds = array<i64: 1024>}, {transform_indices = @transform_3, window_bounds = array<i64: 1024>}, {pipeline_mode = #tpu.pipeline_mode<synchronous>, transform_indices = @transform_4, window_bounds = array<i64: 64, 32>}, {pipeline_mode = #tpu.pipeline_mode<synchronous>, transform_indices = @transform_5, window_bounds = array<i64: 64, 32>}, {pipeline_mode = #tpu.pipeline_mode<synchronous>, transform_indices = @transform_6, window_bounds = array<i64: 1, 32>}, {pipeline_mode = #tpu.pipeline_mode<synchronous>, transform_indices = @transform_7, window_bounds = array<i64: 1, 32>}, {pipeline_mode = #tpu.pipeline_mode<synchronous>, transform_indices = @transform_8, window_bounds = array<i64: 1, 32>}, {pipeline_mode = #tpu.pipeline_mode<synchronous>, transform_indices = @transform_9, window_bounds = array<i64: 1, 1>}, {transform_indices = @transform_10, window_bounds = array<i64: 1024>}, {transform_indices = @transform_11, window_bounds = array<i64: 1024>}]} {
    %get3A = arith.constant 0 : index
    %get3A_0 = arith.constant 0 : index
    %get3A_1 = arith.constant 0 : index
    %get3A_2 = vector.load %arg1[%get3A, %get3A_0, %get3A_1] : memref<2x1024x128xf32, #tpu.memory_space<vmem>>, vector<1x1024x128xf32>
    %get3A_3 = vector.shape_cast %get3A_2 : vector<1x1024x128xf32> to vector<1024x128xf32>
    %get3A_4 = arith.constant 1 : index
    %get3A_5 = arith.constant 0 : index
    %get3A_6 = arith.constant 0 : index
    %get3A_7 = vector.load %arg1[%get3A_4, %get3A_5, %get3A_6] : memref<2x1024x128xf32, #tpu.memory_space<vmem>>, vector<1x1024x128xf32>
    %get3A_8 = vector.shape_cast %get3A_7 : vector<1x1024x128xf32> to vector<1024x128xf32>
    %add3A = arith.addf %get3A_3, %get3A_8 : vector<1024x128xf32>
    %get3A_9 = arith.constant 0 : index
    %get3A_10 = arith.constant 0 : index
    %get3A_11 = vector.load %arg2[%get3A_9, %get3A_10] : memref<1024x128xf32, #tpu.memory_space<vmem>>, vector<1024x128xf32>
    %sub3A = arith.subf %add3A, %get3A_11 : vector<1024x128xf32>
    %get3A_12 = arith.constant 0 : index
    %get3A_13 = vector.load %arg3[%get3A_12] : memref<1024xf32, #tpu.memory_space<vmem>>, vector<1024xf32>
    %add3A_14 = arith.constant 1.000000e+00 : f32
    %add3A_15 = vector.broadcast %add3A_14 : f32 to vector<1024xf32>
    %add3A_16 = arith.addf %get3A_13, %add3A_15 : vector<1024xf32>
    %rsqrt3A = math.rsqrt %add3A_16 : vector<1024xf32>
    %get3A_17 = arith.constant 0 : index
    %get3A_18 = vector.load %arg4[%get3A_17] : memref<1024xf32, #tpu.memory_space<vmem>>, vector<1024xf32>
    %add3A_19 = arith.constant 1.000000e+00 : f32
    %add3A_20 = vector.broadcast %add3A_19 : f32 to vector<1024xf32>
    %add3A_21 = arith.addf %get3A_18, %add3A_20 : vector<1024xf32>
    %rsqrt3A_22 = math.rsqrt %add3A_21 : vector<1024xf32>
    %slice3A = vector.extract_strided_slice %sub3A {offsets = [0, 0], sizes = [1024, 64], strides = [1, 1]} : vector<1024x128xf32> to vector<1024x64xf32>
    %broadcast_in_dim3A = vector.shape_cast %rsqrt3A : vector<1024xf32> to vector<1024x1xf32>
    %mul3A = vector.broadcast %broadcast_in_dim3A : vector<1024x1xf32> to vector<1024x64xf32>
    %mul3A_23 = arith.mulf %slice3A, %mul3A : vector<1024x64xf32>
    %get3A_24 = arith.constant 0 : index
    %get3A_25 = arith.constant 0 : index
    %get3A_26 = vector.load %arg5[%get3A_24, %get3A_25] : memref<64x32xf32, #tpu.memory_space<vmem>>, vector<64x32xf32>
    %dot_general3A = arith.constant dense<0.000000e+00> : vector<1024x32xf32>
    %dot_general3A_27 = tpu.matmul %mul3A_23, %get3A_26, %dot_general3A {dimension_numbers = #tpu.dot_dimension_numbers<[1], [0], [0], [1], [0, 0, 1, 1], [], []>, transpose_lhs_hint = false} : vector<1024x64xf32>, vector<64x32xf32>, vector<1024x32xf32> -> vector<1024x32xf32>
    %get3A_28 = arith.constant 0 : index
    %get3A_29 = arith.constant 0 : index
    %get3A_30 = vector.load %arg7[%get3A_28, %get3A_29] : memref<1x32xf32, #tpu.memory_space<vmem>>, vector<1x32xf32>
    %add3A_31 = vector.broadcast %get3A_30 : vector<1x32xf32> to vector<1024x32xf32>
    %add3A_32 = arith.addf %dot_general3A_27, %add3A_31 : vector<1024x32xf32>
    %get3A_33 = arith.constant 0 : index
    %get3A_34 = arith.constant 0 : index
    %get3A_35 = vector.load %arg6[%get3A_33, %get3A_34] : memref<64x32xf32, #tpu.memory_space<vmem>>, vector<64x32xf32>
    %dot_general3A_36 = arith.constant dense<0.000000e+00> : vector<1024x32xf32>
    %dot_general3A_37 = tpu.matmul %mul3A_23, %get3A_35, %dot_general3A_36 {dimension_numbers = #tpu.dot_dimension_numbers<[1], [0], [0], [1], [0, 0, 1, 1], [], []>, transpose_lhs_hint = false} : vector<1024x64xf32>, vector<64x32xf32>, vector<1024x32xf32> -> vector<1024x32xf32>
    %get3A_38 = arith.constant 0 : index
    %get3A_39 = arith.constant 0 : index
    %get3A_40 = vector.load %arg8[%get3A_38, %get3A_39] : memref<1x32xf32, #tpu.memory_space<vmem>>, vector<1x32xf32>
    %add3A_41 = vector.broadcast %get3A_40 : vector<1x32xf32> to vector<1024x32xf32>
    %add3A_42 = arith.addf %dot_general3A_37, %add3A_41 : vector<1024x32xf32>
    %logistic3A = arith.negf %add3A_32 : vector<1024x32xf32>
    %logistic3A_43 = math.exp %logistic3A : vector<1024x32xf32>
    %logistic3A_44 = arith.constant 1.000000e+00 : f32
    %logistic3A_45 = vector.broadcast %logistic3A_44 : f32 to vector<1024x32xf32>
    %logistic3A_46 = arith.addf %logistic3A_45, %logistic3A_43 : vector<1024x32xf32>
    %logistic3A_47 = arith.divf %logistic3A_45, %logistic3A_46 : vector<1024x32xf32>
    %sub3A_48 = arith.constant 1.000000e+00 : f32
    %sub3A_49 = vector.broadcast %sub3A_48 : f32 to vector<1024x32xf32>
    %sub3A_50 = arith.subf %sub3A_49, %logistic3A_47 : vector<1024x32xf32>
    %tanh3A = math.tanh %add3A_42 : vector<1024x32xf32>
    %mul3A_51 = arith.mulf %sub3A_50, %tanh3A : vector<1024x32xf32>
    %get3A_52 = arith.constant 0 : index
    %get3A_53 = arith.constant 0 : index
    %get3A_54 = vector.load %arg9[%get3A_52, %get3A_53] : memref<1x32xf32, #tpu.memory_space<vmem>>, vector<1x32xf32>
    %mul3A_55 = vector.broadcast %get3A_54 : vector<1x32xf32> to vector<1024x32xf32>
    %mul3A_56 = arith.mulf %mul3A_51, %mul3A_55 : vector<1024x32xf32>
    %reduce_sum3A = arith.constant dense<0.000000e+00> : vector<1024xf32>
    %reduce_sum3A_57 = vector.multi_reduction <add>, %mul3A_56, %reduce_sum3A [1] : vector<1024x32xf32> to vector<1024xf32>
    %get3A_58 = arith.constant 0 : index
    %get3A_59 = arith.constant 0 : index
    %get3A_60 = vector.load %arg10[%get3A_58, %get3A_59] : memref<1x1xf32, #tpu.memory_space<vmem>>, vector<1x1xf32>
    %get3A_61 = vector.extract %get3A_60[0, 0] : f32 from vector<1x1xf32>
    %add3A_62 = vector.broadcast %get3A_61 : f32 to vector<1024xf32>
    %add3A_63 = arith.addf %reduce_sum3A_57, %add3A_62 : vector<1024xf32>
    %swap3A = arith.constant 0 : index
    %swap3A_64 = vector.load %arg11[%swap3A] : memref<1024xf32, #tpu.memory_space<vmem>>, vector<1024xf32>
    tpu.vector_store %arg11[%swap3A], %add3A_63 {strides = array<i32>} : memref<1024xf32, #tpu.memory_space<vmem>>, vector<1024xf32>,
    %slice3A_65 = vector.extract_strided_slice %sub3A {offsets = [0, 64], sizes = [1024, 64], strides = [1, 1]} : vector<1024x128xf32> to vector<1024x64xf32>
    %broadcast_in_dim3A_66 = vector.shape_cast %rsqrt3A_22 : vector<1024xf32> to vector<1024x1xf32>
    %mul3A_67 = vector.broadcast %broadcast_in_dim3A_66 : vector<1024x1xf32> to vector<1024x64xf32>
    %mul3A_68 = arith.mulf %slice3A_65, %mul3A_67 : vector<1024x64xf32>
    %get3A_69 = arith.constant 0 : index
    %get3A_70 = arith.constant 0 : index
    %get3A_71 = vector.load %arg5[%get3A_69, %get3A_70] : memref<64x32xf32, #tpu.memory_space<vmem>>, vector<64x32xf32>
    %dot_general3A_72 = arith.constant dense<0.000000e+00> : vector<1024x32xf32>
    %dot_general3A_73 = tpu.matmul %mul3A_68, %get3A_71, %dot_general3A_72 {dimension_numbers = #tpu.dot_dimension_numbers<[1], [0], [0], [1], [0, 0, 1, 1], [], []>, transpose_lhs_hint = false} : vector<1024x64xf32>, vector<64x32xf32>, vector<1024x32xf32> -> vector<1024x32xf32>
    %get3A_74 = arith.constant 0 : index
    %get3A_75 = arith.constant 0 : index
    %get3A_76 = vector.load %arg7[%get3A_74, %get3A_75] : memref<1x32xf32, #tpu.memory_space<vmem>>, vector<1x32xf32>
    %add3A_77 = vector.broadcast %get3A_76 : vector<1x32xf32> to vector<1024x32xf32>
    %add3A_78 = arith.addf %dot_general3A_73, %add3A_77 : vector<1024x32xf32>
    %get3A_79 = arith.constant 0 : index
    %get3A_80 = arith.constant 0 : index
    %get3A_81 = vector.load %arg6[%get3A_79, %get3A_80] : memref<64x32xf32, #tpu.memory_space<vmem>>, vector<64x32xf32>
    %dot_general3A_82 = arith.constant dense<0.000000e+00> : vector<1024x32xf32>
    %dot_general3A_83 = tpu.matmul %mul3A_68, %get3A_81, %dot_general3A_82 {dimension_numbers = #tpu.dot_dimension_numbers<[1], [0], [0], [1], [0, 0, 1, 1], [], []>, transpose_lhs_hint = false} : vector<1024x64xf32>, vector<64x32xf32>, vector<1024x32xf32> -> vector<1024x32xf32>
    %get3A_84 = arith.constant 0 : index
    %get3A_85 = arith.constant 0 : index
    %get3A_86 = vector.load %arg8[%get3A_84, %get3A_85] : memref<1x32xf32, #tpu.memory_space<vmem>>, vector<1x32xf32>
    %add3A_87 = vector.broadcast %get3A_86 : vector<1x32xf32> to vector<1024x32xf32>
    %add3A_88 = arith.addf %dot_general3A_83, %add3A_87 : vector<1024x32xf32>
    %logistic3A_89 = arith.negf %add3A_78 : vector<1024x32xf32>
    %logistic3A_90 = math.exp %logistic3A_89 : vector<1024x32xf32>
    %logistic3A_91 = arith.constant 1.000000e+00 : f32
    %logistic3A_92 = vector.broadcast %logistic3A_91 : f32 to vector<1024x32xf32>
    %logistic3A_93 = arith.addf %logistic3A_92, %logistic3A_90 : vector<1024x32xf32>
    %logistic3A_94 = arith.divf %logistic3A_92, %logistic3A_93 : vector<1024x32xf32>
    %sub3A_95 = arith.constant 1.000000e+00 : f32
    %sub3A_96 = vector.broadcast %sub3A_95 : f32 to vector<1024x32xf32>
    %sub3A_97 = arith.subf %sub3A_96, %logistic3A_94 : vector<1024x32xf32>
    %tanh3A_98 = math.tanh %add3A_88 : vector<1024x32xf32>
    %mul3A_99 = arith.mulf %sub3A_97, %tanh3A_98 : vector<1024x32xf32>
    %get3A_100 = arith.constant 0 : index
    %get3A_101 = arith.constant 0 : index
    %get3A_102 = vector.load %arg9[%get3A_100, %get3A_101] : memref<1x32xf32, #tpu.memory_space<vmem>>, vector<1x32xf32>
    %mul3A_103 = vector.broadcast %get3A_102 : vector<1x32xf32> to vector<1024x32xf32>
    %mul3A_104 = arith.mulf %mul3A_99, %mul3A_103 : vector<1024x32xf32>
    %reduce_sum3A_105 = arith.constant dense<0.000000e+00> : vector<1024xf32>
    %reduce_sum3A_106 = vector.multi_reduction <add>, %mul3A_104, %reduce_sum3A_105 [1] : vector<1024x32xf32> to vector<1024xf32>
    %get3A_107 = arith.constant 0 : index
    %get3A_108 = arith.constant 0 : index
    %get3A_109 = vector.load %arg10[%get3A_107, %get3A_108] : memref<1x1xf32, #tpu.memory_space<vmem>>, vector<1x1xf32>
    %get3A_110 = vector.extract %get3A_109[0, 0] : f32 from vector<1x1xf32>
    %add3A_111 = vector.broadcast %get3A_110 : f32 to vector<1024xf32>
    %add3A_112 = arith.addf %reduce_sum3A_106, %add3A_111 : vector<1024xf32>
    %swap3A_113 = arith.constant 0 : index
    %swap3A_114 = vector.load %arg12[%swap3A_113] : memref<1024xf32, #tpu.memory_space<vmem>>, vector<1024xf32>
    tpu.vector_store %arg12[%swap3A_113], %add3A_112 {strides = array<i32>} : memref<1024xf32, #tpu.memory_space<vmem>>, vector<1024xf32>,
    return
  }
  func.func @transform_0(%arg0: i32) -> (i32, i32, i32) {
    %c0_i32 = arith.constant 0 : i32
    %c0_i32_0 = arith.constant 0 : i32
    %c0_i32_1 = arith.constant 0 : i32
    return %c0_i32, %arg0, %c0_i32_0 : i32, i32, i32
  }
  func.func @transform_1(%arg0: i32) -> (i32, i32) {
    %c0_i32 = arith.constant 0 : i32
    %c0_i32_0 = arith.constant 0 : i32
    return %arg0, %c0_i32 : i32, i32
  }
  func.func @transform_2(%arg0: i32) -> i32 {
    %c0_i32 = arith.constant 0 : i32
    return %arg0 : i32
  }
  func.func @transform_3(%arg0: i32) -> i32 {
    %c0_i32 = arith.constant 0 : i32
    return %arg0 : i32
  }
  func.func @transform_4(%arg0: i32) -> (i32, i32) {
    %c0_i32 = arith.constant 0 : i32
    %c0_i32_0 = arith.constant 0 : i32
    %c0_i32_1 = arith.constant 0 : i32
    return %c0_i32, %c0_i32_0 : i32, i32
  }
  func.func @transform_5(%arg0: i32) -> (i32, i32) {
    %c0_i32 = arith.constant 0 : i32
    %c0_i32_0 = arith.constant 0 : i32
    %c0_i32_1 = arith.constant 0 : i32
    return %c0_i32, %c0_i32_0 : i32, i32
  }
  func.func @transform_6(%arg0: i32) -> (i32, i32) {
    %c0_i32 = arith.constant 0 : i32
    %c0_i32_0 = arith.constant 0 : i32
    %c0_i32_1 = arith.constant 0 : i32
    return %c0_i32, %c0_i32_0 : i32, i32
  }
  func.func @transform_7(%arg0: i32) -> (i32, i32) {
    %c0_i32 = arith.constant 0 : i32
    %c0_i32_0 = arith.constant 0 : i32
    %c0_i32_1 = arith.constant 0 : i32
    return %c0_i32, %c0_i32_0 : i32, i32
  }
  func.func @transform_8(%arg0: i32) -> (i32, i32) {
    %c0_i32 = arith.constant 0 : i32
    %c0_i32_0 = arith.constant 0 : i32
    %c0_i32_1 = arith.constant 0 : i32
    return %c0_i32, %c0_i32_0 : i32, i32
  }
  func.func @transform_9(%arg0: i32) -> (i32, i32) {
    %c0_i32 = arith.constant 0 : i32
    %c0_i32_0 = arith.constant 0 : i32
    %c0_i32_1 = arith.constant 0 : i32
    return %c0_i32, %c0_i32_0 : i32, i32
  }
  func.func @transform_10(%arg0: i32) -> i32 {
    %c0_i32 = arith.constant 0 : i32
    return %arg0 : i32
  }
  func.func @transform_11(%arg0: i32) -> i32 {
    %c0_i32 = arith.constant 0 : i32
    return %arg0 : i32
  }
}

</mosaic_0001>

<sc_bundles>
// kernel: kernel.10.cloned.1.call-start
scs
__scs_entry_jumppad:
0x0: {  	(pc) =	sbr.rel $0x88, $3  }
0x1: {  	(tag) =	ssettag $0x0;
	lr =	simm.s32 $0x1  }
0x2: {  	[smem:$0x3F95] =	sst lr;
	_ =	strace $0xD0000000  }
0x3: {  	_ = 	snop  }
0x4: {  	_ = 	snop  }
0x5: {  	_ = 	snop  }
0x6: {  	_ = 	snop  }
0x7: {  	_ = 	snop  }
__scs_overlays_trampoline_lowered:
0x8: {  	[smem:$0x3FA4] =	sst s0  }
0x9: {  	[smem:$0x3FA5] =	sst s1  }
0xa: {  	[smem:$0x3FA6] =	sst s2  }
0xb: {  	[smem:$0x3FA7] =	sst s3  }
0xc: {  	[smem:$0x3FA8] =	sst s4  }
0xd: {  	[smem:$0x3FA9] =	sst s5  }
0xe: {  	[smem:$0x3FAA] =	sst s6  }
0xf: {  	[smem:$0x3FAB] =	sst s7  }
0x10: {  	[smem:$0x3FAC] =	sst s8  }
0x11: {  	[smem:$0x3FAD] =	sst s9;
	s0 =	simm.s32 @!p0 $0x0  }
0x12: {  	s1 =	sld [smem:$0x3F93];
	s0 =	simm.s32 @p0 $0x1  }
0x13: {  	[smem:$0x3FAE] =	sst s0;
	s0 =	simm.s32 @!p1 $0x0  }
0x14: {  	s2 =	sld [smem:$0x3F92];
	s0 =	simm.s32 @p1 $0x1  }
0x15: {  	[smem:$0x3FAF] =	sst s0;
	s0 =	simm.s32 @!p2 $0x0  }
0x16: {  	s3 =	sld [smem:$0x3FDB];
	s0 =	simm.s32 @p2 $0x1  }
0x17: {  	s4 =	simm.s32 $0x1BF5;
	[smem:$0x3FB1] =	sst s0  }
0x18: {  	s0 =	sld [smem:$0x3F94];
	_ =	swait.ge [sflag:s4], $0x0  }
0x19: {  	s7 =	sld [smem:$0x3F95]  }
0x1a: {  	s8 =	sadd.s32 $0xFFFFE003, lr  }
0x1b: {  	s9 =	sadd.s32 $0xFFFFFEF7, lr;
	s5 =	simm.s32 $0xFFFFFFFF;
	p2 =	slt.u32 s8, $0xFFFFF086  }
0x1c: {  	p1 =	slt.u32 s9, $0xF7A;
	s5 =	simm.s32 @!p2 $0x0  }
0x1d: {  	s5 =	simm.s32 @p1 $0x1;
	p0 =	seq.s32 s7, s2  }
0x1e: {  	s7 =	smul.u32 @!p0 $0xF7A, s2;
	p2 =	seq.s32 @!p0 s5, $0x0  }
0x1f: {  	s9 =	smul.u32 $0xF7A, s1;
	s8 =	simm.s32 @!p0 $0x1BF5;
	p2 =	por !p2, p0  }
0x20: {  	[sflag:s8] =	ssyncset.s32 @!p0 $0xFFFFF086;
	s6 =	sadd.s32 @!p0 s3, s7;
	s7 =	simm.s32 @!p0 $0x108  }
0x21: {  	s3 =	sadd.s32 s3, s9;
	s6 =	sadd.s32 @!p0 $0x88, s6;
	s7 =	simm.s32 @p2 $0x1082  }
0x22: {  	[simem:s7], [sflag:s8] =	dma.local @!p0 [hbm:s6], $0xF7A  }
0x23: {  	s9 =	sor.u32 $0xD0000000, s2;
	s6 =	simm.s32 $0x108;
	_ =	swait.ge @!p0 [sflag:s8], $0x0  }
0x24: {  	s3 =	sadd.s32 $0x88, s3;
	s6 =	simm.s32 @!p1 $0x1082;
	[sflag:s4] =	ssyncset.s32 $0xFFFFF086  }
0x25: {  	[simem:s6], [sflag:s4] =	dma.local [hbm:s3], $0xF7A  }
0x26: {  	[smem:$0x3F95] =	sst s1;
	(tag) =	ssettag s2;
	_ =	strace s9  }
0x27: {  	s1 =	sld [smem:$0x3FA5]  }
0x28: {  	s2 =	sld [smem:$0x3FA6]  }
0x29: {  	s4 =	sld [smem:$0x3FA8]  }
0x2a: {  	p0 =	seq.s32 s5, $0x0;
	s5 =	sld [smem:$0x3FA9]  }
0x2b: {  	s6 =	sld [smem:$0x3FAA]  }
0x2c: {  	s7 =	sld [smem:$0x3FAB]  }
0x2d: {  	s3 =	simm.s32 $0x108;
	s8 =	sld [smem:$0x3FAC]  }
0x2e: {  	s3 =	simm.s32 @!p0 $0x1082;
	s9 =	sld [smem:$0x3FAD]  }
0x2f: {  	lr =	sadd.s32 s0, s3;
	s0 =	sld [smem:$0x3FA4]  }
0x30: {  	s3 =	sld [smem:$0x3FA7]  }
0x31: {  	[smem:$0x3FB0] =	sst s10  }
0x32: {  	s10 =	sld [smem:$0x3FAE];
	_ =	sdelay $0x3  }
0x33: {  	p0 =	seq.s32 s10, $0x1;
	s10 =	sld [smem:$0x3FB0];
	_ =	sdelay $0x3  }
0x34: {  	[smem:$0x3FB0] =	sst s10  }
0x35: {  	s10 =	sld [smem:$0x3FAF];
	_ =	sdelay $0x3  }
0x36: {  	p1 =	seq.s32 s10, $0x1;
	s10 =	sld [smem:$0x3FB0];
	_ =	sdelay $0x3  }
0x37: {  	[smem:$0x3FB0] =	sst s10  }
0x38: {  	s10 =	sld [smem:$0x3FB1]  }
0x39: {  	_ = 	snop;
	(pc) =	sbr.ind lr, $3  }
0x3a: {  	_ = 	snop  }
0x3b: {  	_ = 	snop  }
0x3c: {  	p2 =	seq.s32 s10, $0x1;
	s10 =	sld [smem:$0x3FB0]  }
0x3d: {  	_ =	shalt  }
0x3e: {  	_ =	shalt  }
0x3f: {  	_ =	shalt  }
0x40: {  	_ =	shalt  }
0x41: {  	_ =	shalt  }
0x42: {  	_ =	shalt  }
0x43: {  	_ =	shalt  }
0x44: {  	_ =	shalt  }
0x45: {  	_ =	shalt  }
0x46: {  	_ =	shalt  }
0x47: {  	_ =	shalt  }
0x48: {  	_ =	shalt  }
0x49: {  	_ =	shalt  }
0x4a: {  	_ =	shalt  }
0x4b: {  	_ =	shalt  }
0x4c: {  	_ =	shalt  }
0x4d: {  	_ =	shalt  }
0x4e: {  	_ =	shalt  }
0x4f: {  	_ =	shalt  }
0x50: {  	_ =	shalt  }
0x51: {  	_ =	shalt  }
0x52: {  	_ =	shalt  }
0x53: {  	_ =	shalt  }
0x54: {  	_ =	shalt  }
0x55: {  	_ =	shalt  }
0x56: {  	_ =	shalt  }
0x57: {  	_ =	shalt  }
0x58: {  	_ =	shalt  }
0x59: {  	_ =	shalt  }
0x5a: {  	_ =	shalt  }
0x5b: {  	_ =	shalt  }
0x5c: {  	_ =	shalt  }
0x5d: {  	_ =	shalt  }
0x5e: {  	_ =	shalt  }
0x5f: {  	_ =	shalt  }
0x60: {  	_ =	shalt  }
0x61: {  	_ =	shalt  }
0x62: {  	_ =	shalt  }
0x63: {  	_ =	shalt  }
0x64: {  	_ =	shalt  }
0x65: {  	_ =	shalt  }
0x66: {  	_ =	shalt  }
0x67: {  	_ =	shalt  }
0x68: {  	_ =	shalt  }
0x69: {  	_ =	shalt  }
0x6a: {  	_ =	shalt  }
0x6b: {  	_ =	shalt  }
0x6c: {  	_ =	shalt  }
0x6d: {  	_ =	shalt  }
0x6e: {  	_ =	shalt  }
0x6f: {  	_ =	shalt  }
0x70: {  	_ =	shalt  }
0x71: {  	_ =	shalt  }
0x72: {  	_ =	shalt  }
0x73: {  	_ =	shalt  }
0x74: {  	_ =	shalt  }
0x75: {  	_ =	shalt  }
0x76: {  	_ =	shalt  }
0x77: {  	_ =	shalt  }
0x78: {  	_ =	shalt  }
0x79: {  	_ =	shalt  }
0x7a: {  	_ =	shalt  }
0x7b: {  	_ =	shalt  }
0x7c: {  	_ =	shalt  }
0x7d: {  	_ =	shalt  }
0x7e: {  	_ =	shalt  }
0x7f: {  	_ =	shalt  }
0x80: {  	_ =	shalt  }
0x81: {  	_ =	shalt  }
0x82: {  	_ =	shalt  }
0x83: {  	_ =	shalt  }
0x84: {  	_ =	shalt  }
0x85: {  	_ =	shalt  }
0x86: {  	_ =	shalt  }
0x87: {  	_ =	shalt  }
.Lfunc_end0:
.L_simem_size_0:
called_computation.1_lowered:
.L_overlay_start_0:
0x88: {  	s2 =	sld [smem:$0x3FD9]  }
0x89: {  	s3 =	sld [smem:$0x3FFE];
	_ =	sdelay $0x1  }
0x8a: {  	s1 =	srdreg.scid  }
0x8b: {  	s0 =	sand.u32 $0x1, s1  }
0x8c: {  	s16 =	sshll.u32 s0, $0xA;
	s2 =	sadd.s32 s3, s2  }
0x8d: {  	s2 =	sadd.s32 s2, s16  }
0x8e: {  	[smem:$0x3FBC] =	sst s2  }
0x8f: {  	_ = 	snop  }
0x90: {  	(tm) =	ssettm $0x1  }
0x91: {  	s17 =	sld [smem:$0x3FFB];
	_ =	sdelay $0x3  }
0x92: {  	_ =	strace s17  }
0x93: {  	s2 =	sld [smem:$0x3FFC];
	_ =	sdelay $0x3  }
0x94: {  	_ =	strace s2  }
0x95: {  	s2 =	sld [smem:$0x3FFD];
	_ =	sdelay $0x3  }
0x96: {  	_ =	strace s2  }
0x97: {  	_ =	strace $0x8FFFFFFF  }
0x98: {  	s18 =	sld [smem:$0x3FDB];
	_ =	sdelay $0x1  }
0x99: {  	s19 =	simm.s32 $_scs_section_size  }
0x9a: {  	s4 =	simm.s32 $_size__tile_overlayer_lowered;
	s5 =	simm.s32 $_tile_overlayer_lowered  }
0x9b: {  	s22 =	simm.s32 $0x1BFF;
	s21 =	sshll.u32 s5, $0x1;
	s2 =	sadd.s32 s19, s18  }
0x9c: {  	s6 =	simm.s32 $0x0;
	s20 =	sshll.u32 s4, $0x1;
	s4 =	sadd.s32 s21, s2  }
0x9d: {  	[timem:s6], [sflag:s22] =	dma.local [hbm:s4], s20  }
0x9e: {  	_ =	swait.ge [sflag:s22], s20  }
0x9f: {  	s3 =	ssub.s32 $0x0, s20;
	[sflag:s22] =	ssyncset.done $0x0  }
0xa0: {  	[sflag:s22] =	ssyncadd.s32 s3;
	_ =	sdelay $0x1  }
0xa1: {  	s23 =	simm.s32 $0x1B8B  }
0xa2: {  	_ =	swait.ge [sflag:s23], $0x1  }
0xa3: {  	[sflag:s23] =	ssyncset.done $0x0  }
0xa4: {  	s25 =	simm.s32 $0x1B8E;
	s24 =	sld [smem:$0x3FFE];
	[sflag:s23] =	ssyncadd.s32 $0xFFFFFFFF  }
0xa5: {  	s26 =	simm.s32 $execute0_lowered;
	[smem:$0x3FD2] =	sst s25  }
0xa6: {  	s4 =	sshll.u32 s26, $0x1;
	_ =	strace $0x80000049;
	[dreg:$0x1] =	wrdreg $0xFFFFFFFF  }
0xa7: {  	s28 =	simm.s32 $_size_execute0_lowered;
	s2 =	sadd.s32 s2, s4;
	[dreg:$0x0] =	wrdreg $0x0  }
0xa8: {  	s4 =	sshll.u32 s28, $0x1;
	[dreg:$0x2] =	wrdreg s2  }
0xa9: {  	[dreg:$0x3] =	wrdreg s4  }
0xaa: {  	[dreg:$0x4] =	wrdreg $0xC0  }
0xab: {  	_ =	task [dreg:s6], $0x5FFFF  }
0xac: {  	[dreg:$0x1] =	wrdreg $0xFFFFFFFF  }
0xad: {  	[dreg:$0x0] =	wrdreg $0x60  }
0xae: {  	[dreg:$0x2] =	wrdreg s24  }
0xaf: {  	[dreg:$0x3] =	wrdreg $0x14B900  }
0xb0: {  	[dreg:$0x4] =	wrdreg $0x9  }
0xb1: {  	_ =	task.clear_ibuf [dreg:s6], $0x5FFFF;
	_ =	strace $0x90000049  }
0xb2: {  	s29 =	simm.s32 $0x9;
	_ =	strace $0x8000004B  }
0xb3: {  	_ =	swait.ge [sflag:s29], $0x1  }
0xb4: {  	[sflag:s29] =	ssyncadd.s32 $0xFFFFFFFF  }
0xb5: {  	_ =	strace $0x9000004B  }
0xb6: {  	_ =	sfence  }
0xb7: {  	s30 =	sld [smem:$0x0];
	_ =	sdelay $0x2  }
0xb8: {  	s31 =	sshll.u32 s1, $0xD;
	s1 =	sshrl.u32 s1, $0x2  }
0xb9: {  	s3 =	sand.u32 $0x4000, s31;
	s1 =	sadd.s32 s1, s30  }
0xba: {  	s0 =	sor.u32 s3, s0;
	s1 =	sshll.u32 s1, $0x11  }
0xbb: {  	s0 =	sor.u32 s1, s0  }
0xbc: {  	s0 =	sadd.s32 $0x8F2B, s0  }
0xbd: {  	[sflag:s0] =	ssyncadd.remote.s32 $0x1  }
0xbe: {  	_ =	sfence.sel $0xFFFF  }
0xbf: {  	[dreg:$0x0] =	wrdreg $0xFFFFFFFF;
	(pc) =	sbr.abs _section_cstart, $3  }
0xc0: {  	[dreg:$0x1] =	wrdreg $0xFFFFFFFF  }
0xc1: {  	_ =	task.clear_ibuf [dreg:s6], $0x2FFFF;
	_ =	strace $0x9FFFFFFF  }
0xc2: {  	(tm) =	ssettm $0x7FFFFFFF  }
0xc3: {  	_ =	shalt  }
tec
execute0_lowered:
.L_overlay_start_1:
0x0: {  	(tag) =	ssettag $0x1  }
0x1: {  	s0 =	srdreg.scid  }
0x2: {  	s30 =	sand.u32 $0x1, s0  }
0x3: {  	s0 =	stileid.u32;
	s1 =	sshll.u32 s30, $0x4  }
0x4: {  	s29 =	rddreg [dreg:$0x0];
	s4 =	sor.u32 s0, s1  }
0x5: {  	s2 =	rddreg [dreg:$0x1];
	s3 =	simm.s32 $0x0;
	s4 =	smul.u32 $0x1388, s4  }
0x6: {  	[smem:$0x7FF] =	sst s3;
	s31 =	smul.u32 $0xA000, s0  }
0x7: {  	s22 =	sadd.s32 $0x1A00, s29;
	s26 =	sadd.s32 $0x6A00, s29;
	s23 =	sshrl.u32 s4, $0x3  }
0x8: {  	s6 =	sshrl.u32 s31, $0x3;
	s4 =	sadd.s32 $0xBA00, s29;
	s5 =	sadd.s32 s22, s23  }
0x9: {  	_ =	strace $0x8000004A;
	s18 =	sadd.s32 s4, s6;
	[dreg:$0x3] =	wrdreg s5  }
0xa: {  	s13 =	sadd.s32 $0x50, s23;
	s20 =	sadd.s32 s26, s23;
	[dreg:$0x4] =	wrdreg s18  }
0xb: {  	s19 =	sadd.s32 s22, s13;
	[dreg:$0x6] =	wrdreg s20  }
0xc: {  	s15 =	sadd.s32 $0xA0, s23;
	[dreg:$0x5] =	wrdreg s19  }
0xd: {  	s24 =	sadd.s32 s22, s15;
	s21 =	rddreg [dreg:$0x3]  }
0xe: {  	s7 =	simm.s32 $0xB90;
	s5 =	simm.s32 $0x2;
	[dreg:$0x7] =	wrdreg s24  }
0xf: {  	[tilespmem:s3], [sflag:$0x2] =	stream.linear.gather [hbm4b:s21+s3], $0x280, $0x38;
	[tilespmem:$0x1EB90] =	vst v63  }
0x10: {  	s9 =	sshll.u32 s0, $0x6;
	s8 =	sadd.s32 s31, s2;
	_ =	swait.ge [sflag:s5], $0x280  }
0x11: {  	s9 =	sor.u32 $0x1C02, s9;
	s8 =	sshrl.u32 s8, $0x3;
	[sflag:s5] =	ssyncset.done $0x0  }
0x12: {  	s6 =	simm.s32 $0x280;
	s10 =	rddreg [dreg:$0x4];
	[sflag:s5] =	ssyncadd.s32 $0xFFFFFD80  }
0x13: {  	[tilespmem:s7], [sflag:$0x1] =	stream.indirect.gather [hbm4b:s4+s6], $0x40, s3, s6, $0xb8;
	[tilespmem:$0x1EB90] =	vst v63  }
0x14: {  	[spmem:s8], [sflag:s9] =	dma.local [hbm:s10], $0x1400  }
0x15: {  	_ =	swait.ge [sflag:s5], $0x1400  }
0x16: {  	[sflag:s5] =	ssyncset.done $0x0  }
0x17: {  	[sflag:s5] =	ssyncadd.s32 $0xFFFFEC00  }
0x18: {  	[bflag:$0x0] =	sbarrier.arrive $0xFFFF  }
0x19: {  	s25 =	rddreg [dreg:$0x5]  }
0x1a: {  	[tilespmem:s6], [sflag:$0x2] =	stream.linear.gather [hbm4b:s25+s3], $0x280, $0x38;
	[tilespmem:$0x1EB90] =	vst v63  }
0x1b: {  	_ =	swait.ge [sflag:s5], $0x280  }
0x1c: {  	[sflag:s5] =	ssyncset.done $0x0  }
0x1d: {  	s10 =	simm.s32 $0x500;
	s11 =	rddreg [dreg:$0x6];
	[sflag:s5] =	ssyncadd.s32 $0xFFFFFD80  }
0x1e: {  	[tilespmem:s10], [sflag:$0x2] =	stream.linear.gather [hbm4b:s11+s3], $0x280, $0x38;
	[tilespmem:$0x1EB90] =	vst v63  }
0x1f: {  	_ =	swait.ge [sflag:s5], $0x280  }
0x20: {  	[sflag:s5] =	ssyncset.done $0x0  }
0x21: {  	s11 =	simm.s32 $0x1;
	[sflag:s5] =	ssyncadd.s32 $0xFFFFFD80  }
0x22: {  	_ =	swait.ge [sflag:s11], $0xA000  }
0x23: {  	[sflag:s11] =	ssyncset.done $0x0  }
0x24: {  	s12 =	simm.s32 $0xAB90;
	[sflag:s11] =	ssyncadd.s32 $0xFFFF6000  }
0x25: {  	[tilespmem:s12], [sflag:$0x1] =	stream.indirect.gather [hbm4b:s4+s6], $0x40, s6, s6, $0xb8;
	[tilespmem:$0x1EB90] =	vst v63  }
0x26: {  	_ = 	snop  }
0x27: {  	[spmem:s2] =	stream.indirect.scatter.add.f32 [tilespmem:s7], [sflag:$0x2], $0x40, s10, s6, $0xb8;
	[tilespmem:$0x1EB90] =	vst v63  }
0x28: {  	_ =	swait.ge [sflag:s5], $0xA000  }
0x29: {  	[sflag:s5] =	ssyncset.done $0x0  }
0x2a: {  	s14 =	rddreg [dreg:$0x7];
	[sflag:s5] =	ssyncadd.s32 $0xFFFF6000  }
0x2b: {  	[tilespmem:s3], [sflag:$0x2] =	stream.linear.gather [hbm4b:s14+s3], $0x280, $0x38;
	[tilespmem:$0x1EB90] =	vst v63  }
0x2c: {  	_ =	swait.ge [sflag:s5], $0x280  }
0x2d: {  	[sflag:s5] =	ssyncset.done $0x0  }
0x2e: {  	s13 =	sadd.s32 s26, s13;
	[sflag:s5] =	ssyncadd.s32 $0xFFFFFD80  }
0x2f: {  	[tilespmem:s10], [sflag:$0x2] =	stream.linear.gather [hbm4b:s13+s3], $0x280, $0x38;
	[tilespmem:$0x1EB90] =	vst v63  }
0x30: {  	_ =	swait.ge [sflag:s5], $0x280  }
0x31: {  	[sflag:s5] =	ssyncset.done $0x0  }
0x32: {  	[sflag:s5] =	ssyncadd.s32 $0xFFFFFD80  }
0x33: {  	_ =	swait.ge [sflag:s11], $0xA000  }
0x34: {  	[sflag:s11] =	ssyncset.done $0x0  }
0x35: {  	[sflag:s11] =	ssyncadd.s32 $0xFFFF6000  }
0x36: {  	[tilespmem:s7], [sflag:$0x1] =	stream.indirect.gather [hbm4b:s4+s6], $0x40, s3, s6, $0xb8;
	[tilespmem:$0x1EB90] =	vst v63  }
0x37: {  	_ = 	snop  }
0x38: {  	[spmem:s2] =	stream.indirect.scatter.add.f32 [tilespmem:s12], [sflag:$0x2], $0x40, s10, s6, $0xb8;
	[tilespmem:$0x1EB90] =	vst v63  }
0x39: {  	_ =	swait.ge [sflag:s5], $0xA000  }
0x3a: {  	s17 =	sadd.s32 $0xF0, s23;
	[sflag:s5] =	ssyncset.done $0x0  }
0x3b: {  	s14 =	sadd.s32 s22, s17;
	[sflag:s5] =	ssyncadd.s32 $0xFFFF6000  }
0x3c: {  	[tilespmem:s6], [sflag:$0x2] =	stream.linear.gather [hbm4b:s14+s3], $0x280, $0x38;
	[tilespmem:$0x1EB90] =	vst v63  }
0x3d: {  	_ =	swait.ge [sflag:s5], $0x280  }
0x3e: {  	[sflag:s5] =	ssyncset.done $0x0  }
0x3f: {  	s15 =	sadd.s32 s26, s15;
	[sflag:s5] =	ssyncadd.s32 $0xFFFFFD80  }
0x40: {  	[tilespmem:s10], [sflag:$0x2] =	stream.linear.gather [hbm4b:s15+s3], $0x280, $0x38;
	[tilespmem:$0x1EB90] =	vst v63  }
0x41: {  	_ =	swait.ge [sflag:s5], $0x280  }
0x42: {  	[sflag:s5] =	ssyncset.done $0x0  }
0x43: {  	[sflag:s5] =	ssyncadd.s32 $0xFFFFFD80  }
0x44: {  	_ =	swait.ge [sflag:s11], $0xA000  }
0x45: {  	[sflag:s11] =	ssyncset.done $0x0  }
0x46: {  	[sflag:s11] =	ssyncadd.s32 $0xFFFF6000  }
0x47: {  	[tilespmem:s12], [sflag:$0x1] =	stream.indirect.gather [hbm4b:s4+s6], $0x40, s6, s6, $0xb8;
	[tilespmem:$0x1EB90] =	vst v63  }
0x48: {  	_ = 	snop  }
0x49: {  	[spmem:s2] =	stream.indirect.scatter.add.f32 [tilespmem:s7], [sflag:$0x2], $0x40, s10, s6, $0xb8;
	[tilespmem:$0x1EB90] =	vst v63  }
0x4a: {  	_ =	swait.ge [sflag:s5], $0xA000  }
0x4b: {  	s19 =	sadd.s32 $0x140, s23;
	[sflag:s5] =	ssyncset.done $0x0  }
0x4c: {  	s16 =	sadd.s32 s22, s19;
	[sflag:s5] =	ssyncadd.s32 $0xFFFF6000  }
0x4d: {  	[tilespmem:s3], [sflag:$0x2] =	stream.linear.gather [hbm4b:s16+s3], $0x280, $0x38;
	[tilespmem:$0x1EB90] =	vst v63  }
0x4e: {  	_ =	swait.ge [sflag:s5], $0x280  }
0x4f: {  	[sflag:s5] =	ssyncset.done $0x0  }
0x50: {  	s17 =	sadd.s32 s26, s17;
	[sflag:s5] =	ssyncadd.s32 $0xFFFFFD80  }
0x51: {  	[tilespmem:s10], [sflag:$0x2] =	stream.linear.gather [hbm4b:s17+s3], $0x280, $0x38;
	[tilespmem:$0x1EB90] =	vst v63  }
0x52: {  	_ =	swait.ge [sflag:s5], $0x280  }
0x53: {  	[sflag:s5] =	ssyncset.done $0x0  }
0x54: {  	[sflag:s5] =	ssyncadd.s32 $0xFFFFFD80  }
0x55: {  	_ =	swait.ge [sflag:s11], $0xA000  }
0x56: {  	[sflag:s11] =	ssyncset.done $0x0  }
0x57: {  	[sflag:s11] =	ssyncadd.s32 $0xFFFF6000  }
0x58: {  	[tilespmem:s7], [sflag:$0x1] =	stream.indirect.gather [hbm4b:s4+s6], $0x40, s3, s6, $0xb8;
	[tilespmem:$0x1EB90] =	vst v63  }
0x59: {  	_ = 	snop  }
0x5a: {  	[spmem:s2] =	stream.indirect.scatter.add.f32 [tilespmem:s12], [sflag:$0x2], $0x40, s10, s6, $0xb8;
	[tilespmem:$0x1EB90] =	vst v63  }
0x5b: {  	_ =	swait.ge [sflag:s5], $0xA000  }
0x5c: {  	s21 =	sadd.s32 $0x190, s23;
	[sflag:s5] =	ssyncset.done $0x0  }
0x5d: {  	s18 =	sadd.s32 s22, s21;
	[sflag:s5] =	ssyncadd.s32 $0xFFFF6000  }
0x5e: {  	[tilespmem:s6], [sflag:$0x2] =	stream.linear.gather [hbm4b:s18+s3], $0x280, $0x38;
	[tilespmem:$0x1EB90] =	vst v63  }
0x5f: {  	_ =	swait.ge [sflag:s5], $0x280  }
0x60: {  	[sflag:s5] =	ssyncset.done $0x0  }
0x61: {  	s19 =	sadd.s32 s26, s19;
	[sflag:s5] =	ssyncadd.s32 $0xFFFFFD80  }
0x62: {  	[tilespmem:s10], [sflag:$0x2] =	stream.linear.gather [hbm4b:s19+s3], $0x280, $0x38;
	[tilespmem:$0x1EB90] =	vst v63  }
0x63: {  	_ =	swait.ge [sflag:s5], $0x280  }
0x64: {  	[sflag:s5] =	ssyncset.done $0x0  }
0x65: {  	[sflag:s5] =	ssyncadd.s32 $0xFFFFFD80  }
0x66: {  	_ =	swait.ge [sflag:s11], $0xA000  }
0x67: {  	[sflag:s11] =	ssyncset.done $0x0  }
0x68: {  	[sflag:s11] =	ssyncadd.s32 $0xFFFF6000  }
0x69: {  	[tilespmem:s12], [sflag:$0x1] =	stream.indirect.gather [hbm4b:s4+s6], $0x40, s6, s6, $0xb8;
	[tilespmem:$0x1EB90] =	vst v63  }
0x6a: {  	_ = 	snop  }
0x6b: {  	[spmem:s2] =	stream.indirect.scatter.add.f32 [tilespmem:s7], [sflag:$0x2], $0x40, s10, s6, $0xb8;
	[tilespmem:$0x1EB90] =	vst v63  }
0x6c: {  	_ =	swait.ge [sflag:s5], $0xA000  }
0x6d: {  	s24 =	sadd.s32 $0x1E0, s23;
	[sflag:s5] =	ssyncset.done $0x0  }
0x6e: {  	s20 =	sadd.s32 s22, s24;
	[sflag:s5] =	ssyncadd.s32 $0xFFFF6000  }
0x6f: {  	[tilespmem:s3], [sflag:$0x2] =	stream.linear.gather [hbm4b:s20+s3], $0x280, $0x38;
	[tilespmem:$0x1EB90] =	vst v63  }
0x70: {  	_ =	swait.ge [sflag:s5], $0x280  }
0x71: {  	[sflag:s5] =	ssyncset.done $0x0  }
0x72: {  	s21 =	sadd.s32 s26, s21;
	[sflag:s5] =	ssyncadd.s32 $0xFFFFFD80  }
0x73: {  	[tilespmem:s10], [sflag:$0x2] =	stream.linear.gather [hbm4b:s21+s3], $0x280, $0x38;
	[tilespmem:$0x1EB90] =	vst v63  }
0x74: {  	_ =	swait.ge [sflag:s5], $0x280  }
0x75: {  	[sflag:s5] =	ssyncset.done $0x0  }
0x76: {  	[sflag:s5] =	ssyncadd.s32 $0xFFFFFD80  }
0x77: {  	_ =	swait.ge [sflag:s11], $0xA000  }
0x78: {  	[sflag:s11] =	ssyncset.done $0x0  }
0x79: {  	[sflag:s11] =	ssyncadd.s32 $0xFFFF6000  }
0x7a: {  	[tilespmem:s7], [sflag:$0x1] =	stream.indirect.gather [hbm4b:s4+s6], $0x40, s3, s6, $0xb8;
	[tilespmem:$0x1EB90] =	vst v63  }
0x7b: {  	_ = 	snop  }
0x7c: {  	[spmem:s2] =	stream.indirect.scatter.add.f32 [tilespmem:s12], [sflag:$0x2], $0x40, s10, s6, $0xb8;
	[tilespmem:$0x1EB90] =	vst v63  }
0x7d: {  	_ =	swait.ge [sflag:s5], $0xA000  }
0x7e: {  	s28 =	sadd.s32 $0x230, s23;
	[sflag:s5] =	ssyncset.done $0x0  }
0x7f: {  	s23 =	simm.s32 $0x780;
	s22 =	sadd.s32 s22, s28;
	[sflag:s5] =	ssyncadd.s32 $0xFFFF6000  }
0x80: {  	[tilespmem:s23], [sflag:$0x2] =	stream.linear.gather [hbm4b:s22+s3], $0x208, $0x38;
	[tilespmem:$0x1EB90] =	vst v63  }
0x81: {  	_ =	swait.ge [sflag:s5], $0x208  }
0x82: {  	[sflag:s5] =	ssyncset.done $0x0  }
0x83: {  	s24 =	sadd.s32 s26, s24;
	[sflag:s5] =	ssyncadd.s32 $0xFFFFFDF8  }
0x84: {  	[tilespmem:s10], [sflag:$0x2] =	stream.linear.gather [hbm4b:s24+s3], $0x280, $0x38;
	[tilespmem:$0x1EB90] =	vst v63  }
0x85: {  	_ =	swait.ge [sflag:s5], $0x280  }
0x86: {  	[sflag:s5] =	ssyncset.done $0x0  }
0x87: {  	[sflag:s5] =	ssyncadd.s32 $0xFFFFFD80  }
0x88: {  	_ =	swait.ge [sflag:s11], $0xA000  }
0x89: {  	[sflag:s11] =	ssyncset.done $0x0  }
0x8a: {  	s25 =	simm.s32 $0x208;
	[sflag:s11] =	ssyncadd.s32 $0xFFFF6000  }
0x8b: {  	[tilespmem:s12], [sflag:$0x1] =	stream.indirect.gather [hbm4b:s4+s25], $0x40, s23, s25, $0xb8;
	[tilespmem:$0x1EB90] =	vst v63  }
0x8c: {  	_ = 	snop  }
0x8d: {  	[spmem:s2] =	stream.indirect.scatter.add.f32 [tilespmem:s7], [sflag:$0x2], $0x40, s10, s6, $0xb8;
	[tilespmem:$0x1EB90] =	vst v63  }
0x8e: {  	_ =	swait.ge [sflag:s5], $0xA000  }
0x8f: {  	[sflag:s5] =	ssyncset.done $0x0  }
0x90: {  	s26 =	sadd.s32 s26, s28;
	s28 =	simm.s32 $0x988;
	[sflag:s5] =	ssyncadd.s32 $0xFFFF6000  }
0x91: {  	[tilespmem:s28], [sflag:$0x2] =	stream.linear.gather [hbm4b:s26+s3], $0x208, $0x38;
	[tilespmem:$0x1EB90] =	vst v63  }
0x92: {  	s1 =	smul.u32 $0xA0000, s30;
	_ =	swait.ge [sflag:s5], $0x208  }
0x93: {  	s30 =	ssub.s32 $0x2, s30;
	[sflag:s5] =	ssyncset.done $0x0  }
0x94: {  	s1 =	sadd.s32 s31, s1;
	s31 =	sshrl.u32 s30, $0x1;
	[sflag:s5] =	ssyncadd.s32 $0xFFFFFDF8  }
0x95: {  	s30 =	ssub.s32 s30, s31;
	_ =	swait.ge [sflag:s11], $0x8200  }
0x96: {  	s31 =	smax.u32 s30, $0x1;
	[sflag:s11] =	ssyncset.done $0x0  }
0x97: {  	p0 =	sne.s32 s31, $0x1;
	[sflag:s11] =	ssyncadd.s32 $0xFFFF7E00  }
0x98: {  	[spmem:s2] =	stream.indirect.scatter.add.f32 [tilespmem:s12], [sflag:$0x2], $0x40, s28, s25, $0xb8;
	[tilespmem:$0x1EB90] =	vst v63  }
.Ltmp0:
0x99: {  	_ =	swait.ge [sflag:s5], $0x8200;
	(pc) =	sbr.rel @!p0 .LBB2_2-.Ltmp0, $4  }
0x9a: {  	s1 =	sshrl.u32 s1, $0x3;
	[sflag:s5] =	ssyncset.done $0x0  }
0x9b: {  	s1 =	sadd.s32 s1, s29;
	[sflag:s5] =	ssyncadd.s32 $0xFFFF7E00  }
0x9c: {  	s29 =	sadd.s32 $0x1FA00, s1;
	s30 =	sadd.s32 $0xFFFFFFFF, s31;
	[bflag:$0x0] =	sbarrier.arrive $0xFFFF  }
0x9d: {  	[hbm:s29], [sflag:s9] =	dma.local [spmem:s8], $0x1400  }
.LBB2_1:
0x9e: {  	_ =	swait.ge [sflag:s5], $0x1400  }
0x9f: {  	[sflag:s5] =	ssyncset.done $0x0  }
0xa0: {  	s1 =	rddreg [dreg:$0x3];
	[sflag:s5] =	ssyncadd.s32 $0xFFFFEC00  }
0xa1: {  	[tilespmem:s3], [sflag:$0x2] =	stream.linear.gather [hbm4b:s1+s3], $0x280, $0x38;
	[tilespmem:$0x1EB90] =	vst v63  }
0xa2: {  	_ =	swait.ge [sflag:s5], $0x280  }
0xa3: {  	[sflag:s5] =	ssyncset.done $0x0  }
0xa4: {  	s31 =	rddreg [dreg:$0x4];
	[sflag:s5] =	ssyncadd.s32 $0xFFFFFD80  }
0xa5: {  	[tilespmem:s7], [sflag:$0x1] =	stream.indirect.gather [hbm4b:s4+s6], $0x40, s3, s6, $0xb8;
	[tilespmem:$0x1EB90] =	vst v63  }
0xa6: {  	[spmem:s8], [sflag:s9] =	dma.local [hbm:s31], $0x1400  }
0xa7: {  	_ =	swait.ge [sflag:s5], $0x1400  }
0xa8: {  	[sflag:s5] =	ssyncset.done $0x0  }
0xa9: {  	[sflag:s5] =	ssyncadd.s32 $0xFFFFEC00  }
0xaa: {  	[bflag:$0x0] =	sbarrier.arrive $0xFFFF  }
0xab: {  	s31 =	rddreg [dreg:$0x5]  }
0xac: {  	[tilespmem:s6], [sflag:$0x2] =	stream.linear.gather [hbm4b:s31+s3], $0x280, $0x38;
	[tilespmem:$0x1EB90] =	vst v63  }
0xad: {  	_ =	swait.ge [sflag:s5], $0x280  }
0xae: {  	[sflag:s5] =	ssyncset.done $0x0  }
0xaf: {  	s31 =	rddreg [dreg:$0x6];
	[sflag:s5] =	ssyncadd.s32 $0xFFFFFD80  }
0xb0: {  	[tilespmem:s10], [sflag:$0x2] =	stream.linear.gather [hbm4b:s31+s3], $0x280, $0x38;
	[tilespmem:$0x1EB90] =	vst v63  }
0xb1: {  	_ =	swait.ge [sflag:s5], $0x280  }
0xb2: {  	[sflag:s5] =	ssyncset.done $0x0  }
0xb3: {  	[sflag:s5] =	ssyncadd.s32 $0xFFFFFD80  }
0xb4: {  	_ =	swait.ge [sflag:s11], $0xA000  }
0xb5: {  	[sflag:s11] =	ssyncset.done $0x0  }
0xb6: {  	[sflag:s11] =	ssyncadd.s32 $0xFFFF6000  }
0xb7: {  	[tilespmem:s12], [sflag:$0x1] =	stream.indirect.gather [hbm4b:s4+s6], $0x40, s6, s6, $0xb8;
	[tilespmem:$0x1EB90] =	vst v63  }
0xb8: {  	_ = 	snop  }
0xb9: {  	[spmem:s2] =	stream.indirect.scatter.add.f32 [tilespmem:s7], [sflag:$0x2], $0x40, s10, s6, $0xb8;
	[tilespmem:$0x1EB90] =	vst v63  }
0xba: {  	_ =	swait.ge [sflag:s5], $0xA000  }
0xbb: {  	[sflag:s5] =	ssyncset.done $0x0  }
0xbc: {  	s31 =	rddreg [dreg:$0x7];
	[sflag:s5] =	ssyncadd.s32 $0xFFFF6000  }
0xbd: {  	[tilespmem:s3], [sflag:$0x2] =	stream.linear.gather [hbm4b:s31+s3], $0x280, $0x38;
	[tilespmem:$0x1EB90] =	vst v63  }
0xbe: {  	_ =	swait.ge [sflag:s5], $0x280  }
0xbf: {  	[sflag:s5] =	ssyncset.done $0x0  }
0xc0: {  	[sflag:s5] =	ssyncadd.s32 $0xFFFFFD80  }
0xc1: {  	[tilespmem:s10], [sflag:$0x2] =	stream.linear.gather [hbm4b:s13+s3], $0x280, $0x38;
	[tilespmem:$0x1EB90] =	vst v63  }
0xc2: {  	_ =	swait.ge [sflag:s5], $0x280  }
0xc3: {  	[sflag:s5] =	ssyncset.done $0x0  }
0xc4: {  	[sflag:s5] =	ssyncadd.s32 $0xFFFFFD80  }
0xc5: {  	_ =	swait.ge [sflag:s11], $0xA000  }
0xc6: {  	[sflag:s11] =	ssyncset.done $0x0  }
0xc7: {  	[sflag:s11] =	ssyncadd.s32 $0xFFFF6000  }
0xc8: {  	[tilespmem:s7], [sflag:$0x1] =	stream.indirect.gather [hbm4b:s4+s6], $0x40, s3, s6, $0xb8;
	[tilespmem:$0x1EB90] =	vst v63  }
0xc9: {  	_ = 	snop  }
0xca: {  	[spmem:s2] =	stream.indirect.scatter.add.f32 [tilespmem:s12], [sflag:$0x2], $0x40, s10, s6, $0xb8;
	[tilespmem:$0x1EB90] =	vst v63  }
0xcb: {  	_ =	swait.ge [sflag:s5], $0xA000  }
0xcc: {  	[sflag:s5] =	ssyncset.done $0x0  }
0xcd: {  	[sflag:s5] =	ssyncadd.s32 $0xFFFF6000  }
0xce: {  	[tilespmem:s6], [sflag:$0x2] =	stream.linear.gather [hbm4b:s14+s3], $0x280, $0x38;
	[tilespmem:$0x1EB90] =	vst v63  }
0xcf: {  	_ =	swait.ge [sflag:s5], $0x280  }
0xd0: {  	[sflag:s5] =	ssyncset.done $0x0  }
0xd1: {  	[sflag:s5] =	ssyncadd.s32 $0xFFFFFD80  }
0xd2: {  	[tilespmem:s10], [sflag:$0x2] =	stream.linear.gather [hbm4b:s15+s3], $0x280, $0x38;
	[tilespmem:$0x1EB90] =	vst v63  }
0xd3: {  	_ =	swait.ge [sflag:s5], $0x280  }
0xd4: {  	[sflag:s5] =	ssyncset.done $0x0  }
0xd5: {  	[sflag:s5] =	ssyncadd.s32 $0xFFFFFD80  }
0xd6: {  	_ =	swait.ge [sflag:s11], $0xA000  }
0xd7: {  	[sflag:s11] =	ssyncset.done $0x0  }
0xd8: {  	[sflag:s11] =	ssyncadd.s32 $0xFFFF6000  }
0xd9: {  	[tilespmem:s12], [sflag:$0x1] =	stream.indirect.gather [hbm4b:s4+s6], $0x40, s6, s6, $0xb8;
	[tilespmem:$0x1EB90] =	vst v63  }
0xda: {  	_ = 	snop  }
0xdb: {  	[spmem:s2] =	stream.indirect.scatter.add.f32 [tilespmem:s7], [sflag:$0x2], $0x40, s10, s6, $0xb8;
	[tilespmem:$0x1EB90] =	vst v63  }
0xdc: {  	_ =	swait.ge [sflag:s5], $0xA000  }
0xdd: {  	[sflag:s5] =	ssyncset.done $0x0  }
0xde: {  	[sflag:s5] =	ssyncadd.s32 $0xFFFF6000  }
0xdf: {  	[tilespmem:s3], [sflag:$0x2] =	stream.linear.gather [hbm4b:s16+s3], $0x280, $0x38;
	[tilespmem:$0x1EB90] =	vst v63  }
0xe0: {  	_ =	swait.ge [sflag:s5], $0x280  }
0xe1: {  	[sflag:s5] =	ssyncset.done $0x0  }
0xe2: {  	[sflag:s5] =	ssyncadd.s32 $0xFFFFFD80  }
0xe3: {  	[tilespmem:s10], [sflag:$0x2] =	stream.linear.gather [hbm4b:s17+s3], $0x280, $0x38;
	[tilespmem:$0x1EB90] =	vst v63  }
0xe4: {  	_ =	swait.ge [sflag:s5], $0x280  }
0xe5: {  	[sflag:s5] =	ssyncset.done $0x0  }
0xe6: {  	[sflag:s5] =	ssyncadd.s32 $0xFFFFFD80  }
0xe7: {  	_ =	swait.ge [sflag:s11], $0xA000  }
0xe8: {  	[sflag:s11] =	ssyncset.done $0x0  }
0xe9: {  	[sflag:s11] =	ssyncadd.s32 $0xFFFF6000  }
0xea: {  	[tilespmem:s7], [sflag:$0x1] =	stream.indirect.gather [hbm4b:s4+s6], $0x40, s3, s6, $0xb8;
	[tilespmem:$0x1EB90] =	vst v63  }
0xeb: {  	_ = 	snop  }
0xec: {  	[spmem:s2] =	stream.indirect.scatter.add.f32 [tilespmem:s12], [sflag:$0x2], $0x40, s10, s6, $0xb8;
	[tilespmem:$0x1EB90] =	vst v63  }
0xed: {  	_ =	swait.ge [sflag:s5], $0xA000  }
0xee: {  	[sflag:s5] =	ssyncset.done $0x0  }
0xef: {  	[sflag:s5] =	ssyncadd.s32 $0xFFFF6000  }
0xf0: {  	[tilespmem:s6], [sflag:$0x2] =	stream.linear.gather [hbm4b:s18+s3], $0x280, $0x38;
	[tilespmem:$0x1EB90] =	vst v63  }
0xf1: {  	_ =	swait.ge [sflag:s5], $0x280  }
0xf2: {  	[sflag:s5] =	ssyncset.done $0x0  }
0xf3: {  	[sflag:s5] =	ssyncadd.s32 $0xFFFFFD80  }
0xf4: {  	[tilespmem:s10], [sflag:$0x2] =	stream.linear.gather [hbm4b:s19+s3], $0x280, $0x38;
	[tilespmem:$0x1EB90] =	vst v63  }
0xf5: {  	_ =	swait.ge [sflag:s5], $0x280  }
0xf6: {  	[sflag:s5] =	ssyncset.done $0x0  }
0xf7: {  	[sflag:s5] =	ssyncadd.s32 $0xFFFFFD80  }
0xf8: {  	_ =	swait.ge [sflag:s11], $0xA000  }
0xf9: {  	[sflag:s11] =	ssyncset.done $0x0  }
0xfa: {  	[sflag:s11] =	ssyncadd.s32 $0xFFFF6000  }
0xfb: {  	[tilespmem:s12], [sflag:$0x1] =	stream.indirect.gather [hbm4b:s4+s6], $0x40, s6, s6, $0xb8;
	[tilespmem:$0x1EB90] =	vst v63  }
0xfc: {  	_ = 	snop  }
0xfd: {  	[spmem:s2] =	stream.indirect.scatter.add.f32 [tilespmem:s7], [sflag:$0x2], $0x40, s10, s6, $0xb8;
	[tilespmem:$0x1EB90] =	vst v63  }
0xfe: {  	_ =	swait.ge [sflag:s5], $0xA000  }
0xff: {  	[sflag:s5] =	ssyncset.done $0x0  }
0x100: {  	[sflag:s5] =	ssyncadd.s32 $0xFFFF6000  }
0x101: {  	[tilespmem:s3], [sflag:$0x2] =	stream.linear.gather [hbm4b:s20+s3], $0x280, $0x38;
	[tilespmem:$0x1EB90] =	vst v63  }
0x102: {  	_ =	swait.ge [sflag:s5], $0x280  }
0x103: {  	[sflag:s5] =	ssyncset.done $0x0  }
0x104: {  	[sflag:s5] =	ssyncadd.s32 $0xFFFFFD80  }
0x105: {  	[tilespmem:s10], [sflag:$0x2] =	stream.linear.gather [hbm4b:s21+s3], $0x280, $0x38;
	[tilespmem:$0x1EB90] =	vst v63  }
0x106: {  	_ =	swait.ge [sflag:s5], $0x280  }
0x107: {  	[sflag:s5] =	ssyncset.done $0x0  }
0x108: {  	[sflag:s5] =	ssyncadd.s32 $0xFFFFFD80  }
0x109: {  	_ =	swait.ge [sflag:s11], $0xA000  }
0x10a: {  	[sflag:s11] =	ssyncset.done $0x0  }
0x10b: {  	[sflag:s11] =	ssyncadd.s32 $0xFFFF6000  }
0x10c: {  	[tilespmem:s7], [sflag:$0x1] =	stream.indirect.gather [hbm4b:s4+s6], $0x40, s3, s6, $0xb8;
	[tilespmem:$0x1EB90] =	vst v63  }
0x10d: {  	_ = 	snop  }
0x10e: {  	[spmem:s2] =	stream.indirect.scatter.add.f32 [tilespmem:s12], [sflag:$0x2], $0x40, s10, s6, $0xb8;
	[tilespmem:$0x1EB90] =	vst v63  }
0x10f: {  	_ =	swait.ge [sflag:s5], $0xA000  }
0x110: {  	[sflag:s5] =	ssyncset.done $0x0  }
0x111: {  	[sflag:s5] =	ssyncadd.s32 $0xFFFF6000  }
0x112: {  	[tilespmem:s23], [sflag:$0x2] =	stream.linear.gather [hbm4b:s22+s3], $0x208, $0x38;
	[tilespmem:$0x1EB90] =	vst v63  }
0x113: {  	_ =	swait.ge [sflag:s5], $0x208  }
0x114: {  	[sflag:s5] =	ssyncset.done $0x0  }
0x115: {  	[sflag:s5] =	ssyncadd.s32 $0xFFFFFDF8  }
0x116: {  	[tilespmem:s10], [sflag:$0x2] =	stream.linear.gather [hbm4b:s24+s3], $0x280, $0x38;
	[tilespmem:$0x1EB90] =	vst v63  }
0x117: {  	_ =	swait.ge [sflag:s5], $0x280  }
0x118: {  	[sflag:s5] =	ssyncset.done $0x0  }
0x119: {  	[sflag:s5] =	ssyncadd.s32 $0xFFFFFD80  }
0x11a: {  	_ =	swait.ge [sflag:s11], $0xA000  }
0x11b: {  	[sflag:s11] =	ssyncset.done $0x0  }
0x11c: {  	[sflag:s11] =	ssyncadd.s32 $0xFFFF6000  }
0x11d: {  	[tilespmem:s12], [sflag:$0x1] =	stream.indirect.gather [hbm4b:s4+s25], $0x40, s23, s25, $0xb8;
	[tilespmem:$0x1EB90] =	vst v63  }
0x11e: {  	_ = 	snop  }
0x11f: {  	[spmem:s2] =	stream.indirect.scatter.add.f32 [tilespmem:s7], [sflag:$0x2], $0x40, s10, s6, $0xb8;
	[tilespmem:$0x1EB90] =	vst v63  }
0x120: {  	_ =	swait.ge [sflag:s5], $0xA000  }
0x121: {  	[sflag:s5] =	ssyncset.done $0x0  }
0x122: {  	[sflag:s5] =	ssyncadd.s32 $0xFFFF6000  }
0x123: {  	[tilespmem:s28], [sflag:$0x2] =	stream.linear.gather [hbm4b:s26+s3], $0x208, $0x38;
	[tilespmem:$0x1EB90] =	vst v63  }
0x124: {  	_ =	swait.ge [sflag:s5], $0x208  }
0x125: {  	[sflag:s5] =	ssyncset.done $0x0  }
0x126: {  	[sflag:s5] =	ssyncadd.s32 $0xFFFFFDF8  }
0x127: {  	_ =	swait.ge [sflag:s11], $0x8200  }
0x128: {  	[sflag:s11] =	ssyncset.done $0x0  }
0x129: {  	p0 =	sne.s32 s30, $0x1;
	[sflag:s11] =	ssyncadd.s32 $0xFFFF7E00  }
0x12a: {  	[spmem:s2] =	stream.indirect.scatter.add.f32 [tilespmem:s12], [sflag:$0x2], $0x40, s28, s25, $0xb8;
	[tilespmem:$0x1EB90] =	vst v63  }
.Ltmp1:
0x12b: {  	_ =	swait.ge [sflag:s5], $0x8200;
	(pc) =	sbr.rel @p0 .LBB2_1-.Ltmp1, $4  }
0x12c: {  	[sflag:s5] =	ssyncset.done $0x0  }
0x12d: {  	[sflag:s5] =	ssyncadd.s32 $0xFFFF7E00  }
0x12e: {  	s30 =	sadd.s32 $0xFFFFFFFF, s30;
	[bflag:$0x0] =	sbarrier.arrive $0xFFFF  }
0x12f: {  	[hbm:s29], [sflag:s9] =	dma.local [spmem:s8], $0x1400  }
.LBB2_2:
0x130: {  	_ =	swait.ge [sflag:s5], $0x1400  }
0x131: {  	[sflag:s5] =	ssyncset.done $0x0  }
0x132: {  	[sflag:s5] =	ssyncadd.s32 $0xFFFFEC00  }
0x133: {  	_ =	sfence.sel $0x180000  }
0x134: {  	[bflag:$0x0] =	sbarrier.arrive $0xFFFF  }
0x135: {  	_ =	strace $0x9000004A  }
0x136: {  	[bflag:$0x2] =	sbarrier.arrive $0xFFFF  }
0x137: {  	p0 =	sne.s32 s0, $0x0;
	s0 =	rddreg [dreg:$0x2]  }
0x138: {  	s0 =	sadd.s32 @!p0 $0x100000, s0  }
0x139: {  	[sflag:s0] =	ssyncadd.tile.s32 @!p0 $0x1;
	_ =	shalt  }
.Lfunc_end2:
_tile_overlayer_lowered:
.L_overlay_start_2:
0x13a: {  	(tag) =	ssettag $0x2  }
0x13b: {  	s0 =	rddreg [dreg:$0x0];
	s2 =	stileid.u32  }
0x13c: {  	s1 =	rddreg [dreg:$0x1];
	p0 =	sne.s32 s2, $0x0  }
0x13d: {  	s3 =	rddreg [dreg:$0x2];
	[bflag:$0x3] =	sbarrier.arrive $0xFFFF;
	s2 =	simm.s32 @!p0 $0x1C02  }
0x13e: {  	[timem:s3], [sflag:s2] =	dma.local @!p0 [hbm:s0], s1  }
0x13f: {  	s0 =	simm.s32 @!p0 $0x2  }
0x140: {  	_ =	swait.ge @!p0 [sflag:s0], s1  }
0x141: {  	s1 =	ssub.s32 @!p0 $0x0, s1;
	[sflag:s0] =	ssyncset.done @!p0 $0x0  }
0x142: {  	[sflag:s0] =	ssyncadd.s32 @!p0 s1  }
0x143: {  	[bflag:$0x3] =	sbarrier.arrive $0xFFFF  }
0x144: {  	_ =	shalt  }

// kernel: kernel.7.cloned.1.call-start
scs
__scs_entry_jumppad:
0x0: {  	(pc) =	sbr.rel $0x88, $3  }
0x1: {  	(tag) =	ssettag $0x0;
	lr =	simm.s32 $0x1  }
0x2: {  	[smem:$0x3F95] =	sst lr;
	_ =	strace $0xD0000000  }
0x3: {  	_ = 	snop  }
0x4: {  	_ = 	snop  }
0x5: {  	_ = 	snop  }
0x6: {  	_ = 	snop  }
0x7: {  	_ = 	snop  }
__scs_overlays_trampoline_lowered:
0x8: {  	[smem:$0x3FA4] =	sst s0  }
0x9: {  	[smem:$0x3FA5] =	sst s1  }
0xa: {  	[smem:$0x3FA6] =	sst s2  }
0xb: {  	[smem:$0x3FA7] =	sst s3  }
0xc: {  	[smem:$0x3FA8] =	sst s4  }
0xd: {  	[smem:$0x3FA9] =	sst s5  }
0xe: {  	[smem:$0x3FAA] =	sst s6  }
0xf: {  	[smem:$0x3FAB] =	sst s7  }
0x10: {  	[smem:$0x3FAC] =	sst s8  }
0x11: {  	[smem:$0x3FAD] =	sst s9;
	s0 =	simm.s32 @!p0 $0x0  }
0x12: {  	s1 =	sld [smem:$0x3F93];
	s0 =	simm.s32 @p0 $0x1  }
0x13: {  	[smem:$0x3FAE] =	sst s0;
	s0 =	simm.s32 @!p1 $0x0  }
0x14: {  	s2 =	sld [smem:$0x3F92];
	s0 =	simm.s32 @p1 $0x1  }
0x15: {  	[smem:$0x3FAF] =	sst s0;
	s0 =	simm.s32 @!p2 $0x0  }
0x16: {  	s3 =	sld [smem:$0x3FDB];
	s0 =	simm.s32 @p2 $0x1  }
0x17: {  	s4 =	simm.s32 $0x1BF5;
	[smem:$0x3FB1] =	sst s0  }
0x18: {  	s0 =	sld [smem:$0x3F94];
	_ =	swait.ge [sflag:s4], $0x0  }
0x19: {  	s7 =	sld [smem:$0x3F95]  }
0x1a: {  	s8 =	sadd.s32 $0xFFFFE003, lr  }
0x1b: {  	s9 =	sadd.s32 $0xFFFFFEF7, lr;
	s5 =	simm.s32 $0xFFFFFFFF;
	p2 =	slt.u32 s8, $0xFFFFF086  }
0x1c: {  	p1 =	slt.u32 s9, $0xF7A;
	s5 =	simm.s32 @!p2 $0x0  }
0x1d: {  	s5 =	simm.s32 @p1 $0x1;
	p0 =	seq.s32 s7, s2  }
0x1e: {  	s7 =	smul.u32 @!p0 $0xF7A, s2;
	p2 =	seq.s32 @!p0 s5, $0x0  }
0x1f: {  	s9 =	smul.u32 $0xF7A, s1;
	s8 =	simm.s32 @!p0 $0x1BF5;
	p2 =	por !p2, p0  }
0x20: {  	[sflag:s8] =	ssyncset.s32 @!p0 $0xFFFFF086;
	s6 =	sadd.s32 @!p0 s3, s7;
	s7 =	simm.s32 @!p0 $0x108  }
0x21: {  	s3 =	sadd.s32 s3, s9;
	s6 =	sadd.s32 @!p0 $0x88, s6;
	s7 =	simm.s32 @p2 $0x1082  }
0x22: {  	[simem:s7], [sflag:s8] =	dma.local @!p0 [hbm:s6], $0xF7A  }
0x23: {  	s9 =	sor.u32 $0xD0000000, s2;
	s6 =	simm.s32 $0x108;
	_ =	swait.ge @!p0 [sflag:s8], $0x0  }
0x24: {  	s3 =	sadd.s32 $0x88, s3;
	s6 =	simm.s32 @!p1 $0x1082;
	[sflag:s4] =	ssyncset.s32 $0xFFFFF086  }
0x25: {  	[simem:s6], [sflag:s4] =	dma.local [hbm:s3], $0xF7A  }
0x26: {  	[smem:$0x3F95] =	sst s1;
	(tag) =	ssettag s2;
	_ =	strace s9  }
0x27: {  	s1 =	sld [smem:$0x3FA5]  }
0x28: {  	s2 =	sld [smem:$0x3FA6]  }
0x29: {  	s4 =	sld [smem:$0x3FA8]  }
0x2a: {  	p0 =	seq.s32 s5, $0x0;
	s5 =	sld [smem:$0x3FA9]  }
0x2b: {  	s6 =	sld [smem:$0x3FAA]  }
0x2c: {  	s7 =	sld [smem:$0x3FAB]  }
0x2d: {  	s3 =	simm.s32 $0x108;
	s8 =	sld [smem:$0x3FAC]  }
0x2e: {  	s3 =	simm.s32 @!p0 $0x1082;
	s9 =	sld [smem:$0x3FAD]  }
0x2f: {  	lr =	sadd.s32 s0, s3;
	s0 =	sld [smem:$0x3FA4]  }
0x30: {  	s3 =	sld [smem:$0x3FA7]  }
0x31: {  	[smem:$0x3FB0] =	sst s10  }
0x32: {  	s10 =	sld [smem:$0x3FAE];
	_ =	sdelay $0x3  }
0x33: {  	p0 =	seq.s32 s10, $0x1;
	s10 =	sld [smem:$0x3FB0];
	_ =	sdelay $0x3  }
0x34: {  	[smem:$0x3FB0] =	sst s10  }
0x35: {  	s10 =	sld [smem:$0x3FAF];
	_ =	sdelay $0x3  }
0x36: {  	p1 =	seq.s32 s10, $0x1;
	s10 =	sld [smem:$0x3FB0];
	_ =	sdelay $0x3  }
0x37: {  	[smem:$0x3FB0] =	sst s10  }
0x38: {  	s10 =	sld [smem:$0x3FB1]  }
0x39: {  	_ = 	snop;
	(pc) =	sbr.ind lr, $3  }
0x3a: {  	_ = 	snop  }
0x3b: {  	_ = 	snop  }
0x3c: {  	p2 =	seq.s32 s10, $0x1;
	s10 =	sld [smem:$0x3FB0]  }
0x3d: {  	_ =	shalt  }
0x3e: {  	_ =	shalt  }
0x3f: {  	_ =	shalt  }
0x40: {  	_ =	shalt  }
0x41: {  	_ =	shalt  }
0x42: {  	_ =	shalt  }
0x43: {  	_ =	shalt  }
0x44: {  	_ =	shalt  }
0x45: {  	_ =	shalt  }
0x46: {  	_ =	shalt  }
0x47: {  	_ =	shalt  }
0x48: {  	_ =	shalt  }
0x49: {  	_ =	shalt  }
0x4a: {  	_ =	shalt  }
0x4b: {  	_ =	shalt  }
0x4c: {  	_ =	shalt  }
0x4d: {  	_ =	shalt  }
0x4e: {  	_ =	shalt  }
0x4f: {  	_ =	shalt  }
0x50: {  	_ =	shalt  }
0x51: {  	_ =	shalt  }
0x52: {  	_ =	shalt  }
0x53: {  	_ =	shalt  }
0x54: {  	_ =	shalt  }
0x55: {  	_ =	shalt  }
0x56: {  	_ =	shalt  }
0x57: {  	_ =	shalt  }
0x58: {  	_ =	shalt  }
0x59: {  	_ =	shalt  }
0x5a: {  	_ =	shalt  }
0x5b: {  	_ =	shalt  }
0x5c: {  	_ =	shalt  }
0x5d: {  	_ =	shalt  }
0x5e: {  	_ =	shalt  }
0x5f: {  	_ =	shalt  }
0x60: {  	_ =	shalt  }
0x61: {  	_ =	shalt  }
0x62: {  	_ =	shalt  }
0x63: {  	_ =	shalt  }
0x64: {  	_ =	shalt  }
0x65: {  	_ =	shalt  }
0x66: {  	_ =	shalt  }
0x67: {  	_ =	shalt  }
0x68: {  	_ =	shalt  }
0x69: {  	_ =	shalt  }
0x6a: {  	_ =	shalt  }
0x6b: {  	_ =	shalt  }
0x6c: {  	_ =	shalt  }
0x6d: {  	_ =	shalt  }
0x6e: {  	_ =	shalt  }
0x6f: {  	_ =	shalt  }
0x70: {  	_ =	shalt  }
0x71: {  	_ =	shalt  }
0x72: {  	_ =	shalt  }
0x73: {  	_ =	shalt  }
0x74: {  	_ =	shalt  }
0x75: {  	_ =	shalt  }
0x76: {  	_ =	shalt  }
0x77: {  	_ =	shalt  }
0x78: {  	_ =	shalt  }
0x79: {  	_ =	shalt  }
0x7a: {  	_ =	shalt  }
0x7b: {  	_ =	shalt  }
0x7c: {  	_ =	shalt  }
0x7d: {  	_ =	shalt  }
0x7e: {  	_ =	shalt  }
0x7f: {  	_ =	shalt  }
0x80: {  	_ =	shalt  }
0x81: {  	_ =	shalt  }
0x82: {  	_ =	shalt  }
0x83: {  	_ =	shalt  }
0x84: {  	_ =	shalt  }
0x85: {  	_ =	shalt  }
0x86: {  	_ =	shalt  }
0x87: {  	_ =	shalt  }
.Lfunc_end0:
.L_simem_size_0:
called_computation_lowered:
.L_overlay_start_0:
0x88: {  	s2 =	sld [smem:$0x3FD9]  }
0x89: {  	s3 =	sld [smem:$0x3FFE];
	_ =	sdelay $0x1  }
0x8a: {  	s1 =	srdreg.scid  }
0x8b: {  	s0 =	sand.u32 $0x1, s1  }
0x8c: {  	s16 =	sshll.u32 s0, $0xA;
	s2 =	sadd.s32 s3, s2  }
0x8d: {  	s2 =	sadd.s32 s2, s16  }
0x8e: {  	[smem:$0x3FBC] =	sst s2  }
0x8f: {  	_ = 	snop  }
0x90: {  	(tm) =	ssettm $0x1  }
0x91: {  	s17 =	sld [smem:$0x3FFB];
	_ =	sdelay $0x3  }
0x92: {  	_ =	strace s17  }
0x93: {  	s2 =	sld [smem:$0x3FFC];
	_ =	sdelay $0x3  }
0x94: {  	_ =	strace s2  }
0x95: {  	s2 =	sld [smem:$0x3FFD];
	_ =	sdelay $0x3  }
0x96: {  	_ =	strace s2  }
0x97: {  	_ =	strace $0x8FFFFFFF  }
0x98: {  	s18 =	sld [smem:$0x3FDB];
	_ =	sdelay $0x1  }
0x99: {  	s19 =	simm.s32 $_scs_section_size  }
0x9a: {  	s4 =	simm.s32 $_size__tile_overlayer_lowered;
	s5 =	simm.s32 $_tile_overlayer_lowered  }
0x9b: {  	s22 =	simm.s32 $0x1BFF;
	s21 =	sshll.u32 s5, $0x1;
	s2 =	sadd.s32 s19, s18  }
0x9c: {  	s6 =	simm.s32 $0x0;
	s20 =	sshll.u32 s4, $0x1;
	s4 =	sadd.s32 s21, s2  }
0x9d: {  	[timem:s6], [sflag:s22] =	dma.local [hbm:s4], s20  }
0x9e: {  	_ =	swait.ge [sflag:s22], s20  }
0x9f: {  	s3 =	ssub.s32 $0x0, s20;
	[sflag:s22] =	ssyncset.done $0x0  }
0xa0: {  	[sflag:s22] =	ssyncadd.s32 s3;
	_ =	sdelay $0x1  }
0xa1: {  	s23 =	simm.s32 $0x1B8B  }
0xa2: {  	_ =	swait.ge [sflag:s23], $0x1  }
0xa3: {  	[sflag:s23] =	ssyncset.done $0x0  }
0xa4: {  	s25 =	simm.s32 $0x1B8E;
	s24 =	sld [smem:$0x3FFE];
	[sflag:s23] =	ssyncadd.s32 $0xFFFFFFFF  }
0xa5: {  	s26 =	simm.s32 $execute0_lowered;
	[smem:$0x3FD2] =	sst s25  }
0xa6: {  	s4 =	sshll.u32 s26, $0x1;
	_ =	strace $0x80000046;
	[dreg:$0x1] =	wrdreg $0xFFFFFFFF  }
0xa7: {  	s28 =	simm.s32 $_size_execute0_lowered;
	s2 =	sadd.s32 s2, s4;
	[dreg:$0x0] =	wrdreg $0x0  }
0xa8: {  	s4 =	sshll.u32 s28, $0x1;
	[dreg:$0x2] =	wrdreg s2  }
0xa9: {  	[dreg:$0x3] =	wrdreg s4  }
0xaa: {  	[dreg:$0x4] =	wrdreg $0xC0  }
0xab: {  	_ =	task [dreg:s6], $0x5FFFF  }
0xac: {  	[dreg:$0x1] =	wrdreg $0xFFFFFFFF  }
0xad: {  	[dreg:$0x0] =	wrdreg $0x60  }
0xae: {  	[dreg:$0x2] =	wrdreg s24  }
0xaf: {  	[dreg:$0x3] =	wrdreg $0x28000  }
0xb0: {  	[dreg:$0x4] =	wrdreg $0x9  }
0xb1: {  	_ =	task.clear_ibuf [dreg:s6], $0x5FFFF;
	_ =	strace $0x90000046  }
0xb2: {  	s29 =	simm.s32 $0x9;
	_ =	strace $0x80000048  }
0xb3: {  	_ =	swait.ge [sflag:s29], $0x1  }
0xb4: {  	[sflag:s29] =	ssyncadd.s32 $0xFFFFFFFF  }
0xb5: {  	_ =	strace $0x90000048  }
0xb6: {  	_ =	sfence  }
0xb7: {  	s30 =	sld [smem:$0x0];
	_ =	sdelay $0x2  }
0xb8: {  	s31 =	sshll.u32 s1, $0xD;
	s1 =	sshrl.u32 s1, $0x2  }
0xb9: {  	s3 =	sand.u32 $0x4000, s31;
	s1 =	sadd.s32 s1, s30  }
0xba: {  	s0 =	sor.u32 s3, s0;
	s1 =	sshll.u32 s1, $0x11  }
0xbb: {  	s0 =	sor.u32 s1, s0  }
0xbc: {  	s0 =	sadd.s32 $0x8F2B, s0  }
0xbd: {  	[sflag:s0] =	ssyncadd.remote.s32 $0x1  }
0xbe: {  	_ =	sfence.sel $0xFFFF  }
0xbf: {  	[dreg:$0x0] =	wrdreg $0xFFFFFFFF;
	(pc) =	sbr.abs _section_cstart, $3  }
0xc0: {  	[dreg:$0x1] =	wrdreg $0xFFFFFFFF  }
0xc1: {  	_ =	task.clear_ibuf [dreg:s6], $0x2FFFF;
	_ =	strace $0x9FFFFFFF  }
0xc2: {  	(tm) =	ssettm $0x7FFFFFFF  }
0xc3: {  	_ =	shalt  }
tec
execute0_lowered:
.L_overlay_start_1:
0x0: {  	(tag) =	ssettag $0x1  }
0x1: {  	s0 =	srdreg.scid  }
0x2: {  	s13 =	rddreg [dreg:$0x0];
	s12 =	sand.u32 $0x1, s0  }
0x3: {  	s2 =	rddreg [dreg:$0x1];
	s0 =	stileid.u32;
	s1 =	sshll.u32 s12, $0x4  }
0x4: {  	s3 =	simm.s32 $0x0;
	s14 =	smul.u32 $0x280, s0;
	s4 =	sor.u32 s0, s1  }
0x5: {  	[smem:$0x7FF] =	sst s3;
	s28 =	sshll.u32 s0, $0x6;
	s5 =	smul.u32 $0x50, s4  }
0x6: {  	s1 =	rddreg [dreg:$0x2];
	_ =	strace $0x80000047;
	s6 =	sadd.s32 s14, s2  }
0x7: {  	s8 =	smul.u32 $0x271, s4;
	s7 =	sshrl.u32 s6, $0x3;
	s26 =	sadd.s32 s5, s13  }
0x8: {  	s6 =	simm.s32 $0x1;
	s5 =	sor.u32 $0x1C01, s28;
	s4 =	sadd.s32 $0xBA00, s26  }
0x9: {  	[spmem:s7], [sflag:s5] =	dma.local [hbm:s4], $0x50  }
0xa: {  	_ =	swait.ge [sflag:s6], $0x50  }
0xb: {  	s10 =	sadd.s32 s8, s13;
	[sflag:s6] =	ssyncset.done $0x0  }
0xc: {  	s9 =	simm.s32 $0x1400;
	s8 =	sadd.s32 $0xC400, s10;
	[sflag:s6] =	ssyncadd.s32 $0xFFFFFFB0  }
0xd: {  	[tilespmem:s9], [sflag:$0x1] =	stream.linear.gather [hbm4b:s8+s3], $0x1388, $0x38;
	[tilespmem:$0x2A80] =	vst v63  }
0xe: {  	_ =	swait.ge [sflag:s6], $0x1388  }
0xf: {  	[sflag:s6] =	ssyncset.done $0x0  }
0x10: {  	s10 =	sadd.s32 $0x6A00, s10;
	[sflag:s6] =	ssyncadd.s32 $0xFFFFEC78  }
0x11: {  	[tilespmem:s3], [sflag:$0x1] =	stream.linear.gather [hbm4b:s10+s3], $0x1388, $0x38;
	[tilespmem:$0x2A80] =	vst v63  }
0x12: {  	_ =	swait.ge [sflag:s6], $0x1388  }
0x13: {  	s15 =	smul.u32 $0x2800, s12;
	s12 =	ssub.s32 $0x2, s12;
	[sflag:s6] =	ssyncset.done $0x0  }
0x14: {  	s29 =	sshrl.u32 s12, $0x1;
	[sflag:s6] =	ssyncadd.s32 $0xFFFFEC78  }
0x15: {  	s11 =	simm.s32 $0x1388;
	s30 =	ssub.s32 s12, s29;
	[bflag:$0x0] =	sbarrier.arrive $0xFFFF  }
0x16: {  	[spmem:s2] =	stream.indirect.scatter.add.f32 [tilespmem:s9], [sflag:$0x1], $0x1, s3, s11, $0xb8;
	[tilespmem:$0x2A80] =	vst v63  }
0x17: {  	s14 =	sadd.s32 s14, s15;
	s31 =	smax.u32 s30, $0x1;
	_ =	swait.ge [sflag:s6], $0x1388  }
0x18: {  	s14 =	sshrl.u32 s14, $0x3;
	p0 =	sne.s32 s31, $0x1;
	[sflag:s6] =	ssyncset.done $0x0  }
.Ltmp0:
0x19: {  	s13 =	sadd.s32 s14, s13;
	[sflag:s6] =	ssyncadd.s32 $0xFFFFEC78;
	(pc) =	sbr.rel @!p0 .LBB2_2-.Ltmp0, $4  }
0x1a: {  	s12 =	sadd.s32 $0x11400, s13;
	[bflag:$0x0] =	sbarrier.arrive $0xFFFF  }
0x1b: {  	[hbm:s12], [sflag:s5] =	dma.local [spmem:s7], $0x50  }
0x1c: {  	_ =	swait.ge [sflag:s6], $0x50  }
0x1d: {  	s13 =	sadd.s32 $0xFFFFFFFF, s31;
	[sflag:s6] =	ssyncset.done $0x0  }
.LBB2_1:
0x1e: {  	p0 =	sne.s32 s13, $0x1;
	s13 =	sadd.s32 $0xFFFFFFFF, s13;
	[sflag:s6] =	ssyncadd.s32 $0xFFFFFFB0  }
0x1f: {  	[spmem:s7], [sflag:s5] =	dma.local [hbm:s4], $0x50  }
0x20: {  	_ =	swait.ge [sflag:s6], $0x50  }
0x21: {  	[sflag:s6] =	ssyncset.done $0x0  }
0x22: {  	[sflag:s6] =	ssyncadd.s32 $0xFFFFFFB0  }
0x23: {  	[tilespmem:s9], [sflag:$0x1] =	stream.linear.gather [hbm4b:s8+s3], $0x1388, $0x38;
	[tilespmem:$0x2A80] =	vst v63  }
0x24: {  	_ =	swait.ge [sflag:s6], $0x1388  }
0x25: {  	[sflag:s6] =	ssyncset.done $0x0  }
0x26: {  	[sflag:s6] =	ssyncadd.s32 $0xFFFFEC78  }
0x27: {  	[tilespmem:s3], [sflag:$0x1] =	stream.linear.gather [hbm4b:s10+s3], $0x1388, $0x38;
	[tilespmem:$0x2A80] =	vst v63  }
0x28: {  	_ =	swait.ge [sflag:s6], $0x1388  }
0x29: {  	[sflag:s6] =	ssyncset.done $0x0  }
0x2a: {  	[sflag:s6] =	ssyncadd.s32 $0xFFFFEC78  }
0x2b: {  	[bflag:$0x0] =	sbarrier.arrive $0xFFFF  }
0x2c: {  	[spmem:s2] =	stream.indirect.scatter.add.f32 [tilespmem:s9], [sflag:$0x1], $0x1, s3, s11, $0xb8;
	[tilespmem:$0x2A80] =	vst v63  }
0x2d: {  	_ =	swait.ge [sflag:s6], $0x1388  }
0x2e: {  	[sflag:s6] =	ssyncset.done $0x0  }
.Ltmp1:
0x2f: {  	[sflag:s6] =	ssyncadd.s32 $0xFFFFEC78;
	(pc) =	sbr.rel @p0 .LBB2_1-.Ltmp1, $4  }
0x30: {  	[bflag:$0x0] =	sbarrier.arrive $0xFFFF  }
0x31: {  	[hbm:s12], [sflag:s5] =	dma.local [spmem:s7], $0x50  }
0x32: {  	_ =	swait.ge [sflag:s6], $0x50  }
0x33: {  	[sflag:s6] =	ssyncset.done $0x0  }
.LBB2_2:
0x34: {  	[sflag:s6] =	ssyncadd.s32 $0xFFFFFFB0  }
0x35: {  	_ =	sfence.sel $0x180000  }
0x36: {  	[bflag:$0x0] =	sbarrier.arrive $0xFFFF  }
0x37: {  	p0 =	sne.s32 s0, $0x0;
	_ =	strace $0x90000047  }
0x38: {  	s0 =	sadd.s32 @!p0 $0x100000, s1;
	[bflag:$0x2] =	sbarrier.arrive $0xFFFF  }
0x39: {  	[sflag:s0] =	ssyncadd.tile.s32 @!p0 $0x1;
	_ =	shalt  }
.Lfunc_end2:
_tile_overlayer_lowered:
.L_overlay_start_2:
0x3a: {  	(tag) =	ssettag $0x2  }
0x3b: {  	s0 =	rddreg [dreg:$0x0];
	s2 =	stileid.u32  }
0x3c: {  	s1 =	rddreg [dreg:$0x1];
	p0 =	sne.s32 s2, $0x0  }
0x3d: {  	s3 =	rddreg [dreg:$0x2];
	[bflag:$0x3] =	sbarrier.arrive $0xFFFF;
	s2 =	simm.s32 @!p0 $0x1C01  }
0x3e: {  	[timem:s3], [sflag:s2] =	dma.local @!p0 [hbm:s0], s1  }
0x3f: {  	s0 =	simm.s32 @!p0 $0x1  }
0x40: {  	_ =	swait.ge @!p0 [sflag:s0], s1  }
0x41: {  	s1 =	ssub.s32 @!p0 $0x0, s1;
	[sflag:s0] =	ssyncset.done @!p0 $0x0  }
0x42: {  	[sflag:s0] =	ssyncadd.s32 @!p0 s1  }
0x43: {  	[bflag:$0x3] =	sbarrier.arrive $0xFFFF  }
0x44: {  	_ =	shalt  }

</sc_bundles>
